<compile_context>
chip_gen: v7x
topology: tpu7x:2x2x1
jax: 0.10.2.dev20260603
libtpu: 0.0.44.dev20260713+nightly
codegen_flags: <defaults>
</compile_context>

<pallas_src>
import functools

import jax
import jax.numpy as jnp
from jax import lax
from jax.experimental import pallas as pl
from jax.experimental.pallas import tpu as pltpu
from jax.experimental.pallas import tpu_sc as plsc

NC = 2
NS = 16
NW = NC * NS
EK = 128
BLK = 1024


def _vmesh():
  return plsc.VectorSubcoreMesh(
      core_axis_name="c", subcore_axis_name="s", num_cores=NC,
      num_subcores=NS)


def _sc_degree(dst3d, ones_rows, zero_rows, npad):
  ch = dst3d.shape[1]
  rpt = npad // NS

  @functools.partial(
      pl.kernel,
      out_type=jax.ShapeDtypeStruct((NC, npad, 8), jnp.float32),
      mesh=_vmesh(),
      compiler_params=pltpu.CompilerParams(use_tc_tiling_on_sc=False),
      scratch_types=[
          pltpu.VMEM((ch, EK), jnp.int32),
          pltpu.VMEM((EK, 8), jnp.float32),
          pltpu.VMEM_SHARED((npad, 8), jnp.float32),
      ],
  )
  def body(dst_hbm, ones_hbm, zeros_hbm, out_hbm, dst_v, buf_v, hist_sh):
    c = lax.axis_index("c")
    s = lax.axis_index("s")
    wid = c * NS + s
    pltpu.sync_copy(zeros_hbm, buf_v)

    def zbody(r, carry):
      pltpu.sync_copy(buf_v, hist_sh.at[pl.ds(s * rpt + r * EK, EK)])
      return carry

    lax.fori_loop(0, rpt // EK, zbody, 0)
    plsc.subcore_barrier()
    pltpu.sync_copy(dst_hbm.at[wid], dst_v)
    pltpu.sync_copy(ones_hbm, buf_v)

    def ebody(j, carry):
      pltpu.sync_copy(buf_v, hist_sh.at[dst_v.at[j]], add=True)
      return carry

    lax.fori_loop(0, ch, ebody, 0)
    plsc.subcore_barrier()

    def wbody(r, carry):
      pltpu.sync_copy(hist_sh.at[pl.ds(s * rpt + r * EK, EK)], buf_v)
      pltpu.sync_copy(buf_v, out_hbm.at[c, pl.ds(s * rpt + r * EK, EK)])
      return carry

    lax.fori_loop(0, rpt // EK, wbody, 0)

  return body(dst3d, ones_rows, zero_rows)


def _sc_scatter(g, src3d, dst3d, zero_rows, npad, d):
  ch, ek = src3d.shape[1], src3d.shape[2]
  rpt = npad // NS

  @functools.partial(
      pl.kernel,
      out_type=jax.ShapeDtypeStruct((NC, npad, d), jnp.float32),
      mesh=_vmesh(),
      compiler_params=pltpu.CompilerParams(use_tc_tiling_on_sc=False),
      scratch_types=[
          pltpu.VMEM((ch, ek), jnp.int32),
          pltpu.VMEM((ch, ek), jnp.int32),
          pltpu.VMEM((ek, d), jnp.float32),
          pltpu.VMEM_SHARED((npad, d), jnp.float32),
          pltpu.SemaphoreType.DMA,
      ],
  )
  def body(g_hbm, src_hbm, dst_hbm, zeros_hbm, out_hbm, src_v, dst_v,
           rows_v, acc_sh, sem):
    c = lax.axis_index("c")
    s = lax.axis_index("s")
    wid = c * NS + s
    pltpu.sync_copy(zeros_hbm, rows_v)

    def zbody(r, carry):
      pltpu.sync_copy(rows_v, acc_sh.at[pl.ds(s * rpt + r * ek, ek)])
      return carry

    lax.fori_loop(0, rpt // ek, zbody, 0)
    pltpu.sync_copy(src_hbm.at[wid], src_v)
    pltpu.sync_copy(dst_hbm.at[wid], dst_v)
    plsc.subcore_barrier()

    def ebody(j, carry):
      pltpu.async_copy(g_hbm.at[src_v.at[j]], rows_v, sem).wait()
      pltpu.sync_copy(rows_v, acc_sh.at[dst_v.at[j]], add=True)
      return carry

    lax.fori_loop(0, ch, ebody, 0)
    plsc.subcore_barrier()

    pltpu.sync_copy(acc_sh.at[pl.ds(s * rpt, rpt)],
                    out_hbm.at[c, pl.ds(s * rpt, rpt)])

  return body(g, src3d, dst3d, zero_rows)


def _dinv_block(deg_ref):
  deg = deg_ref[0, :, 0] + deg_ref[1, :, 0] + 1.0
  return lax.rsqrt(deg)[:, None]


def _tc_first(x_pad, w, degp):
  npad, f = x_pad.shape
  h = w.shape[1]

  def body(deg_ref, x_ref, w_ref, g_ref):
    d = _dinv_block(deg_ref)
    g_ref[...] = d * jnp.dot(x_ref[...], w_ref[...],
                             preferred_element_type=jnp.float32)

  return pl.pallas_call(
      body,
      grid=(npad // BLK,),
      in_specs=[
          pl.BlockSpec((NC, BLK, 8), lambda i: (0, i, 0)),
          pl.BlockSpec((BLK, f), lambda i: (i, 0)),
          pl.BlockSpec((f, h), lambda i: (0, 0)),
      ],
      out_specs=pl.BlockSpec((BLK, h), lambda i: (i, 0)),
      out_shape=jax.ShapeDtypeStruct((npad, h), jnp.float32),
  )(degp, x_pad, w)


def _tc_mid(s_parts, g_prev, degp, b_prev, w):
  npad, hin = g_prev.shape
  hout = w.shape[1]

  def body(deg_ref, s_ref, g_ref, b_ref, w_ref, o_ref):
    d = _dinv_block(deg_ref)
    agg = d * (s_ref[0] + s_ref[1] + g_ref[...]) + b_ref[...]
    hid = jnp.maximum(agg, 0.0)
    o_ref[...] = d * jnp.dot(hid, w_ref[...],
                             preferred_element_type=jnp.float32)

  return pl.pallas_call(
      body,
      grid=(npad // BLK,),
      in_specs=[
          pl.BlockSpec((NC, BLK, 8), lambda i: (0, i, 0)),
          pl.BlockSpec((NC, BLK, hin), lambda i: (0, i, 0)),
          pl.BlockSpec((BLK, hin), lambda i: (i, 0)),
          pl.BlockSpec((1, hin), lambda i: (0, 0)),
          pl.BlockSpec((hin, hout), lambda i: (0, 0)),
      ],
      out_specs=pl.BlockSpec((BLK, hout), lambda i: (i, 0)),
      out_shape=jax.ShapeDtypeStruct((npad, hout), jnp.float32),
  )(degp, s_parts, g_prev, b_prev, w)


def _tc_final(s_parts, g_prev, degp, b):
  npad, c = g_prev.shape

  def body(deg_ref, s_ref, g_ref, b_ref, o_ref):
    d = _dinv_block(deg_ref)
    o_ref[...] = d * (s_ref[0] + s_ref[1] + g_ref[...]) + b_ref[...]

  return pl.pallas_call(
      body,
      grid=(npad // BLK,),
      in_specs=[
          pl.BlockSpec((NC, BLK, 8), lambda i: (0, i, 0)),
          pl.BlockSpec((NC, BLK, c), lambda i: (0, i, 0)),
          pl.BlockSpec((BLK, c), lambda i: (i, 0)),
          pl.BlockSpec((1, c), lambda i: (0, 0)),
      ],
      out_specs=pl.BlockSpec((BLK, c), lambda i: (i, 0)),
      out_shape=jax.ShapeDtypeStruct((npad, c), jnp.float32),
  )(degp, s_parts, g_prev, b)


def kernel(x, edge_index, W1, b1, W2, b2, W3, b3):
  n, f = x.shape
  e = edge_index.shape[1]
  h = W1.shape[1]
  c = W3.shape[1]

  npad = ((n + 1 + BLK - 1) // BLK) * BLK
  ch = (e + NW * EK - 1) // (NW * EK)
  epad = NW * ch * EK

  src = jnp.concatenate(
      [edge_index[0], jnp.zeros((epad - e,), jnp.int32)])
  dst = jnp.concatenate(
      [edge_index[1],
       n + jnp.arange(epad - e, dtype=jnp.int32) % (npad - n)])
  src3d = src.reshape(NW, ch, EK)
  dst3d = dst.reshape(NW, ch, EK)
  dst3d_deg = dst3d

  x_pad = jnp.zeros((npad, f), jnp.float32).at[:n].set(x)
  ones8 = jnp.ones((EK, 8), jnp.float32)
  zeros8 = jnp.zeros((EK, 8), jnp.float32)
  zeros_h = jnp.zeros((EK, h), jnp.float32)
  zeros_c = jnp.zeros((EK, c), jnp.float32)
  b1r = b1.reshape(1, h)
  b2r = b2.reshape(1, h)
  b3r = b3.reshape(1, c)

  degp = _sc_degree(dst3d_deg, ones8, zeros8, npad)
  g1 = _tc_first(x_pad, W1, degp)
  s1 = _sc_scatter(g1, src3d, dst3d, zeros_h, npad, h)
  g2 = _tc_mid(s1, g1, degp, b1r, W2)
  s2 = _sc_scatter(g2, src3d, dst3d, zeros_h, npad, h)
  g3 = _tc_mid(s2, g2, degp, b2r, W3)
  s3 = _sc_scatter(g3, src3d, dst3d, zeros_c, npad, c)
  out = _tc_final(s3, g3, degp, b3r)
  return out[:n]

# --- scband reference (transcript-rebuilt; emitter-appended) ---
"""Pipeline reference for scband-simple-gcn-59407987638622 (READ-ONLY COPY).

The authoritative reference and input builder live on the scoring server;
editing this copy changes nothing except your own understanding.
"""

import jax, jax.numpy as jnp
import numpy as np

N = 10000
E = 320000
F_IN = 128
H = 128
C = 64


def _glorot(key, fan_in, fan_out):
    limit = np.sqrt(6.0 / (fan_in + fan_out))
    return jax.random.uniform(key, (fan_in, fan_out), jnp.float32, -limit, limit)


def setup_inputs(seed: int = 0) -> dict:
    key = jax.random.key(seed)
    ks = jax.random.split(key, 8)
    x = jax.random.normal(ks[0], (N, F_IN), dtype=jnp.float32)
    edge_index = jax.random.randint(ks[1], (2, E), 0, N, dtype=jnp.int32)
    W1 = _glorot(ks[2], F_IN, H)
    b1 = jnp.zeros((H,), jnp.float32)
    W2 = _glorot(ks[3], H, H)
    b2 = jnp.zeros((H,), jnp.float32)
    W3 = _glorot(ks[4], H, C)
    b3 = jnp.zeros((C,), jnp.float32)
    return {"x": x, "edge_index": edge_index, "W1": W1, "b1": b1, "W2": W2, "b2": b2, "W3": W3, "b3": b3}


def _gcn_layer(h, src, dst, norm, W, b, n_nodes):
    # linear transform then symmetric-normalized mean aggregation (GCNConv semantics)
    h = h @ W
    msg = h[src] * norm[:, None]
    out = jax.ops.segment_sum(msg, dst, num_segments=n_nodes)
    return out + b


def reference(x, edge_index, W1, b1, W2, b2, W3, b3):
    n_nodes = x.shape[0]
    loop = jnp.arange(n_nodes, dtype=edge_index.dtype)
    src = jnp.concatenate([edge_index[0], loop])
    dst = jnp.concatenate([edge_index[1], loop])
    # symmetric normalization with self-loops: deg computed on destination
    deg = jax.ops.segment_sum(jnp.ones_like(dst, dtype=x.dtype), dst, num_segments=n_nodes)
    dinv = jnp.where(deg > 0, deg ** -0.5, 0.0)
    norm = dinv[src] * dinv[dst]
    h = _gcn_layer(x, src, dst, norm, W1, b1, n_nodes)
    h = jax.nn.relu(h)
    h = _gcn_layer(h, src, dst, norm, W2, b2, n_nodes)
    h = jax.nn.relu(h)
    out = _gcn_layer(h, src, dst, norm, W3, b3, n_nodes)
    return out

if __name__ == "__main__":
    import jax
    _d = setup_inputs()
    print(jax.jit(kernel)(*tuple(_d.values())))

</pallas_src>

<mosaic_0001>
#map = affine_map<(d0, d1) -> (0, 0)>
#map1 = affine_map<(d0, d1) -> (0, 0, 0)>
module attributes {stable_mosaic.version = 14 : i64} {
  func.func @body(%arg0: i32, %arg1: i32, %arg2: memref<10240x128xf32, #tpu.memory_space<hbm>>, %arg3: memref<32x79x128xi32, #tpu.memory_space<hbm>>, %arg4: memref<32x79x128xi32, #tpu.memory_space<hbm>>, %arg5: memref<128x128xf32, #tpu.memory_space<hbm>>, %arg6: memref<2x10240x128xf32, #tpu.memory_space<hbm>>, %arg7: memref<79x128xi32, #tpu.memory_space<vmem>>, %arg8: memref<79x128xi32, #tpu.memory_space<vmem>>, %arg9: memref<128x128xf32, #tpu.memory_space<vmem>>, %arg10: memref<10240x128xf32, #tpu.memory_space<vmem_shared>>, %arg11: memref<!tpu.dma_semaphore, #tpu.memory_space<semaphore_mem>>) attributes {dimension_semantics = [#tpu.dimension_semantics<core_parallel>, #tpu.dimension_semantics<subcore_parallel>], iteration_bounds = array<i64: 2, 16>, scalar_prefetch = 0 : i64, scratch_operands = 5 : i64, tpu.core_type = #tpu.core_type<sc_vector_subcore>, window_params = [{transform_indices = #map}, {transform_indices = #map1}, {transform_indices = #map1}, {transform_indices = #map}, {transform_indices = #map1}]} {
    %mul3A = arith.constant 16 : i32
    %mul3A_0 = arith.muli %arg0, %mul3A : i32
    %add3A = arith.addi %mul3A_0, %arg1 : i32
    "tpu.region"() ({
      %run_scoped3A = tpu.sem_alloc : memref<!tpu.dma_semaphore, #tpu.memory_space<semaphore_mem>>
      tpu.enqueue_dma source(%arg5 : memref<128x128xf32, #tpu.memory_space<hbm>>) target(%arg9 : memref<128x128xf32, #tpu.memory_space<vmem>>) target_semaphore(%run_scoped3A : memref<!tpu.dma_semaphore, #tpu.memory_space<semaphore_mem>>)
      tpu.wait_dma2 semaphore(%run_scoped3A : memref<!tpu.dma_semaphore, #tpu.memory_space<semaphore_mem>>) src(%arg5 : memref<128x128xf32, #tpu.memory_space<hbm>>) dst(%arg9 : memref<128x128xf32, #tpu.memory_space<vmem>>)
      tpu.yield
    }) : () -> ()
    %scan3A = arith.constant 0 : i32
    %scan3A_1 = arith.constant 0 : i32
    %scan3A_2 = arith.constant 5 : i32
    %scan3A_3 = arith.addi %scan3A_1, %scan3A_2 : i32
    %scan3A_4 = arith.constant 1 : i32
    scf.for %scan3A_17 = %scan3A_1 to %scan3A_3 step %scan3A_4  : i32 {
      %mul3A_18 = arith.constant 640 : i32
      %mul3A_19 = arith.muli %arg1, %mul3A_18 : i32
      %mul3A_20 = arith.constant 128 : i32
      %mul3A_21 = arith.muli %scan3A_17, %mul3A_20 : i32
      %add3A_22 = arith.addi %mul3A_19, %mul3A_21 : i32
      "tpu.region"() ({
        %run_scoped3A = tpu.sem_alloc : memref<!tpu.dma_semaphore, #tpu.memory_space<semaphore_mem>>
        %dma_start3A = arith.constant 0 : i32
        %dma_start3A_23 = tpu.memref_slice %arg10[%add3A_22, %dma_start3A] : memref<10240x128xf32, #tpu.memory_space<vmem_shared>> -> memref<128x128xf32, #tpu.memory_space<vmem_shared>>
        %dma_start3A_24 = arith.constant 0 : i32
        %dma_start3A_25 = tpu.memref_slice %arg10[%add3A_22, %dma_start3A_24] : memref<10240x128xf32, #tpu.memory_space<vmem_shared>> -> memref<128x128xf32, #tpu.memory_space<vmem_shared>>
        tpu.enqueue_dma source(%arg9 : memref<128x128xf32, #tpu.memory_space<vmem>>) target(%dma_start3A_25 : memref<128x128xf32, #tpu.memory_space<vmem_shared>>) target_semaphore(%run_scoped3A : memref<!tpu.dma_semaphore, #tpu.memory_space<semaphore_mem>>)
        %dma_wait3A = arith.constant 0 : i32
        %dma_wait3A_26 = tpu.memref_slice %arg10[%add3A_22, %dma_wait3A] : memref<10240x128xf32, #tpu.memory_space<vmem_shared>> -> memref<128x128xf32, #tpu.memory_space<vmem_shared>>
        %dma_wait3A_27 = arith.constant 0 : i32
        %dma_wait3A_28 = tpu.memref_slice %arg10[%add3A_22, %dma_wait3A_27] : memref<10240x128xf32, #tpu.memory_space<vmem_shared>> -> memref<128x128xf32, #tpu.memory_space<vmem_shared>>
        tpu.wait_dma2 semaphore(%run_scoped3A : memref<!tpu.dma_semaphore, #tpu.memory_space<semaphore_mem>>) src(%arg9 : memref<128x128xf32, #tpu.memory_space<vmem>>) dst(%dma_wait3A_28 : memref<128x128xf32, #tpu.memory_space<vmem_shared>>)
        tpu.yield
      }) : () -> ()
    }
    %scan3A_5 = arith.constant 5 : i32
    "tpu.region"() ({
      %run_scoped3A = tpu.sem_alloc : memref<!tpu.dma_semaphore, #tpu.memory_space<semaphore_mem>>
      %dma_start3A = arith.constant 0 : i32
      %dma_start3A_17 = arith.constant 0 : i32
      %dma_start3A_18 = tpu.memref_slice %arg3[%add3A, %dma_start3A, %dma_start3A_17] : memref<32x79x128xi32, #tpu.memory_space<hbm>> -> memref<1x79x128xi32, #tpu.memory_space<hbm>>
      %dma_start3A_19 = tpu.memref_squeeze %dma_start3A_18 : memref<1x79x128xi32, #tpu.memory_space<hbm>> -> memref<79x128xi32, #tpu.memory_space<hbm>>
      %dma_start3A_20 = arith.constant 0 : i32
      %dma_start3A_21 = arith.constant 0 : i32
      %dma_start3A_22 = tpu.memref_slice %arg3[%add3A, %dma_start3A_20, %dma_start3A_21] : memref<32x79x128xi32, #tpu.memory_space<hbm>> -> memref<1x79x128xi32, #tpu.memory_space<hbm>>
      %dma_start3A_23 = tpu.memref_squeeze %dma_start3A_22 : memref<1x79x128xi32, #tpu.memory_space<hbm>> -> memref<79x128xi32, #tpu.memory_space<hbm>>
      tpu.enqueue_dma source(%dma_start3A_23 : memref<79x128xi32, #tpu.memory_space<hbm>>) target(%arg7 : memref<79x128xi32, #tpu.memory_space<vmem>>) target_semaphore(%run_scoped3A : memref<!tpu.dma_semaphore, #tpu.memory_space<semaphore_mem>>)
      %dma_wait3A = arith.constant 0 : i32
      %dma_wait3A_24 = arith.constant 0 : i32
      %dma_wait3A_25 = tpu.memref_slice %arg3[%add3A, %dma_wait3A, %dma_wait3A_24] : memref<32x79x128xi32, #tpu.memory_space<hbm>> -> memref<1x79x128xi32, #tpu.memory_space<hbm>>
      %dma_wait3A_26 = tpu.memref_squeeze %dma_wait3A_25 : memref<1x79x128xi32, #tpu.memory_space<hbm>> -> memref<79x128xi32, #tpu.memory_space<hbm>>
      %dma_wait3A_27 = arith.constant 0 : i32
      %dma_wait3A_28 = arith.constant 0 : i32
      %dma_wait3A_29 = tpu.memref_slice %arg3[%add3A, %dma_wait3A_27, %dma_wait3A_28] : memref<32x79x128xi32, #tpu.memory_space<hbm>> -> memref<1x79x128xi32, #tpu.memory_space<hbm>>
      %dma_wait3A_30 = tpu.memref_squeeze %dma_wait3A_29 : memref<1x79x128xi32, #tpu.memory_space<hbm>> -> memref<79x128xi32, #tpu.memory_space<hbm>>
      tpu.wait_dma2 semaphore(%run_scoped3A : memref<!tpu.dma_semaphore, #tpu.memory_space<semaphore_mem>>) src(%dma_wait3A_30 : memref<79x128xi32, #tpu.memory_space<hbm>>) dst(%arg7 : memref<79x128xi32, #tpu.memory_space<vmem>>)
      tpu.yield
    }) : () -> ()
    "tpu.region"() ({
      %run_scoped3A = tpu.sem_alloc : memref<!tpu.dma_semaphore, #tpu.memory_space<semaphore_mem>>
      %dma_start3A = arith.constant 0 : i32
      %dma_start3A_17 = arith.constant 0 : i32
      %dma_start3A_18 = tpu.memref_slice %arg4[%add3A, %dma_start3A, %dma_start3A_17] : memref<32x79x128xi32, #tpu.memory_space<hbm>> -> memref<1x79x128xi32, #tpu.memory_space<hbm>>
      %dma_start3A_19 = tpu.memref_squeeze %dma_start3A_18 : memref<1x79x128xi32, #tpu.memory_space<hbm>> -> memref<79x128xi32, #tpu.memory_space<hbm>>
      %dma_start3A_20 = arith.constant 0 : i32
      %dma_start3A_21 = arith.constant 0 : i32
      %dma_start3A_22 = tpu.memref_slice %arg4[%add3A, %dma_start3A_20, %dma_start3A_21] : memref<32x79x128xi32, #tpu.memory_space<hbm>> -> memref<1x79x128xi32, #tpu.memory_space<hbm>>
      %dma_start3A_23 = tpu.memref_squeeze %dma_start3A_22 : memref<1x79x128xi32, #tpu.memory_space<hbm>> -> memref<79x128xi32, #tpu.memory_space<hbm>>
      tpu.enqueue_dma source(%dma_start3A_23 : memref<79x128xi32, #tpu.memory_space<hbm>>) target(%arg8 : memref<79x128xi32, #tpu.memory_space<vmem>>) target_semaphore(%run_scoped3A : memref<!tpu.dma_semaphore, #tpu.memory_space<semaphore_mem>>)
      %dma_wait3A = arith.constant 0 : i32
      %dma_wait3A_24 = arith.constant 0 : i32
      %dma_wait3A_25 = tpu.memref_slice %arg4[%add3A, %dma_wait3A, %dma_wait3A_24] : memref<32x79x128xi32, #tpu.memory_space<hbm>> -> memref<1x79x128xi32, #tpu.memory_space<hbm>>
      %dma_wait3A_26 = tpu.memref_squeeze %dma_wait3A_25 : memref<1x79x128xi32, #tpu.memory_space<hbm>> -> memref<79x128xi32, #tpu.memory_space<hbm>>
      %dma_wait3A_27 = arith.constant 0 : i32
      %dma_wait3A_28 = arith.constant 0 : i32
      %dma_wait3A_29 = tpu.memref_slice %arg4[%add3A, %dma_wait3A_27, %dma_wait3A_28] : memref<32x79x128xi32, #tpu.memory_space<hbm>> -> memref<1x79x128xi32, #tpu.memory_space<hbm>>
      %dma_wait3A_30 = tpu.memref_squeeze %dma_wait3A_29 : memref<1x79x128xi32, #tpu.memory_space<hbm>> -> memref<79x128xi32, #tpu.memory_space<hbm>>
      tpu.wait_dma2 semaphore(%run_scoped3A : memref<!tpu.dma_semaphore, #tpu.memory_space<semaphore_mem>>) src(%dma_wait3A_30 : memref<79x128xi32, #tpu.memory_space<hbm>>) dst(%arg8 : memref<79x128xi32, #tpu.memory_space<vmem>>)
      tpu.yield
    }) : () -> ()
    %barrier3A = arith.constant 0 : index
    tpu.barrier barrier_id(%barrier3A)
    %scan3A_6 = arith.constant 0 : i32
    %scan3A_7 = arith.constant 0 : i32
    %scan3A_8 = arith.constant 79 : i32
    %scan3A_9 = arith.addi %scan3A_7, %scan3A_8 : i32
    %scan3A_10 = arith.constant 1 : i32
    scf.for %scan3A_17 = %scan3A_7 to %scan3A_9 step %scan3A_10  : i32 {
      %dma_start3A = arith.constant 0 : i32
      %dma_start3A_18 = tpu.memref_slice %arg7[%scan3A_17, %dma_start3A] : memref<79x128xi32, #tpu.memory_space<vmem>> -> memref<1x128xi32, #tpu.memory_space<vmem>>
      %dma_start3A_19 = tpu.memref_squeeze %dma_start3A_18 : memref<1x128xi32, #tpu.memory_space<vmem>> -> memref<128xi32, #tpu.memory_space<vmem>>
      %dma_start3A_20 = arith.constant 0 : i32
      %dma_start3A_21 = arith.constant 0 : i32
      %dma_start3A_22 = tpu.memref_slice %arg2[%dma_start3A_20, %dma_start3A_21] : memref<10240x128xf32, #tpu.memory_space<hbm>> -> memref<10240x128xf32, #tpu.memory_space<hbm>>
      tpu.enqueue_indirect_dma source(%dma_start3A_22 : memref<10240x128xf32, #tpu.memory_space<hbm>>) target(%arg9 : memref<128x128xf32, #tpu.memory_space<vmem>>) offsets(%dma_start3A_19 : memref<128xi32, #tpu.memory_space<vmem>>) semaphore(%arg11 : memref<!tpu.dma_semaphore, #tpu.memory_space<semaphore_mem>>)
      %dma_wait3A = arith.constant 0 : i32
      %dma_wait3A_23 = tpu.memref_slice %arg7[%scan3A_17, %dma_wait3A] : memref<79x128xi32, #tpu.memory_space<vmem>> -> memref<1x128xi32, #tpu.memory_space<vmem>>
      %dma_wait3A_24 = tpu.memref_squeeze %dma_wait3A_23 : memref<1x128xi32, #tpu.memory_space<vmem>> -> memref<128xi32, #tpu.memory_space<vmem>>
      %dma_wait3A_25 = arith.constant 0 : i32
      %dma_wait3A_26 = arith.constant 0 : i32
      %dma_wait3A_27 = tpu.memref_slice %arg2[%dma_wait3A_25, %dma_wait3A_26] : memref<10240x128xf32, #tpu.memory_space<hbm>> -> memref<10240x128xf32, #tpu.memory_space<hbm>>
      tpu.wait_indirect_dma semaphore(%arg11 : memref<!tpu.dma_semaphore, #tpu.memory_space<semaphore_mem>>) src(%dma_wait3A_27 : memref<10240x128xf32, #tpu.memory_space<hbm>>) dst(%arg9 : memref<128x128xf32, #tpu.memory_space<vmem>>)
      "tpu.region"() ({
        %run_scoped3A = tpu.sem_alloc : memref<!tpu.dma_semaphore, #tpu.memory_space<semaphore_mem>>
        %dma_start3A_28 = arith.constant 0 : i32
        %dma_start3A_29 = tpu.memref_slice %arg8[%scan3A_17, %dma_start3A_28] : memref<79x128xi32, #tpu.memory_space<vmem>> -> memref<1x128xi32, #tpu.memory_space<vmem>>
        %dma_start3A_30 = tpu.memref_squeeze %dma_start3A_29 : memref<1x128xi32, #tpu.memory_space<vmem>> -> memref<128xi32, #tpu.memory_space<vmem>>
        %dma_start3A_31 = arith.constant 0 : i32
        %dma_start3A_32 = arith.constant 0 : i32
        %dma_start3A_33 = tpu.memref_slice %arg10[%dma_start3A_31, %dma_start3A_32] : memref<10240x128xf32, #tpu.memory_space<vmem_shared>> -> memref<10240x128xf32, #tpu.memory_space<vmem_shared>>
        tpu.enqueue_indirect_dma source(%arg9 : memref<128x128xf32, #tpu.memory_space<vmem>>) target(%dma_start3A_33 : memref<10240x128xf32, #tpu.memory_space<vmem_shared>>) offsets(%dma_start3A_30 : memref<128xi32, #tpu.memory_space<vmem>>) semaphore(%run_scoped3A : memref<!tpu.dma_semaphore, #tpu.memory_space<semaphore_mem>>) {add = true}
        %dma_wait3A_34 = arith.constant 0 : i32
        %dma_wait3A_35 = tpu.memref_slice %arg8[%scan3A_17, %dma_wait3A_34] : memref<79x128xi32, #tpu.memory_space<vmem>> -> memref<1x128xi32, #tpu.memory_space<vmem>>
        %dma_wait3A_36 = tpu.memref_squeeze %dma_wait3A_35 : memref<1x128xi32, #tpu.memory_space<vmem>> -> memref<128xi32, #tpu.memory_space<vmem>>
        %dma_wait3A_37 = arith.constant 0 : i32
        %dma_wait3A_38 = arith.constant 0 : i32
        %dma_wait3A_39 = tpu.memref_slice %arg10[%dma_wait3A_37, %dma_wait3A_38] : memref<10240x128xf32, #tpu.memory_space<vmem_shared>> -> memref<10240x128xf32, #tpu.memory_space<vmem_shared>>
        tpu.wait_indirect_dma semaphore(%run_scoped3A : memref<!tpu.dma_semaphore, #tpu.memory_space<semaphore_mem>>) src(%arg9 : memref<128x128xf32, #tpu.memory_space<vmem>>) dst(%dma_wait3A_39 : memref<10240x128xf32, #tpu.memory_space<vmem_shared>>)
        tpu.yield
      }) : () -> ()
    }
    %scan3A_11 = arith.constant 79 : i32
    %barrier3A_12 = arith.constant 0 : index
    tpu.barrier barrier_id(%barrier3A_12)
    %mul3A_13 = arith.constant 640 : i32
    %mul3A_14 = arith.muli %arg1, %mul3A_13 : i32
    %mul3A_15 = arith.constant 640 : i32
    %mul3A_16 = arith.muli %arg1, %mul3A_15 : i32
    "tpu.region"() ({
      %run_scoped3A = tpu.sem_alloc : memref<!tpu.dma_semaphore, #tpu.memory_space<semaphore_mem>>
      %dma_start3A = arith.constant 0 : i32
      %dma_start3A_17 = tpu.memref_slice %arg6[%arg0, %mul3A_16, %dma_start3A] : memref<2x10240x128xf32, #tpu.memory_space<hbm>> -> memref<1x640x128xf32, #tpu.memory_space<hbm>>
      %dma_start3A_18 = tpu.memref_squeeze %dma_start3A_17 : memref<1x640x128xf32, #tpu.memory_space<hbm>> -> memref<640x128xf32, #tpu.memory_space<hbm>>
      %dma_start3A_19 = arith.constant 0 : i32
      %dma_start3A_20 = tpu.memref_slice %arg10[%mul3A_14, %dma_start3A_19] : memref<10240x128xf32, #tpu.memory_space<vmem_shared>> -> memref<640x128xf32, #tpu.memory_space<vmem_shared>>
      tpu.enqueue_dma source(%dma_start3A_20 : memref<640x128xf32, #tpu.memory_space<vmem_shared>>) target(%dma_start3A_18 : memref<640x128xf32, #tpu.memory_space<hbm>>) target_semaphore(%run_scoped3A : memref<!tpu.dma_semaphore, #tpu.memory_space<semaphore_mem>>)
      %dma_wait3A = arith.constant 0 : i32
      %dma_wait3A_21 = tpu.memref_slice %arg6[%arg0, %mul3A_16, %dma_wait3A] : memref<2x10240x128xf32, #tpu.memory_space<hbm>> -> memref<1x640x128xf32, #tpu.memory_space<hbm>>
      %dma_wait3A_22 = tpu.memref_squeeze %dma_wait3A_21 : memref<1x640x128xf32, #tpu.memory_space<hbm>> -> memref<640x128xf32, #tpu.memory_space<hbm>>
      %dma_wait3A_23 = arith.constant 0 : i32
      %dma_wait3A_24 = tpu.memref_slice %arg10[%mul3A_14, %dma_wait3A_23] : memref<10240x128xf32, #tpu.memory_space<vmem_shared>> -> memref<640x128xf32, #tpu.memory_space<vmem_shared>>
      tpu.wait_dma2 semaphore(%run_scoped3A : memref<!tpu.dma_semaphore, #tpu.memory_space<semaphore_mem>>) src(%dma_wait3A_24 : memref<640x128xf32, #tpu.memory_space<vmem_shared>>) dst(%dma_wait3A_22 : memref<640x128xf32, #tpu.memory_space<hbm>>)
      tpu.yield
    }) : () -> ()
    return
  }
}

#map = affine_map<(d0, d1) -> (0, 0, 0)>
#map1 = affine_map<(d0, d1) -> (0, 0)>
module attributes {stable_mosaic.version = 14 : i64} {
  func.func @body(%arg0: i32, %arg1: i32, %arg2: memref<32x79x128xi32, #tpu.memory_space<hbm>>, %arg3: memref<128x8xf32, #tpu.memory_space<hbm>>, %arg4: memref<128x8xf32, #tpu.memory_space<hbm>>, %arg5: memref<2x10240x8xf32, #tpu.memory_space<hbm>>, %arg6: memref<79x128xi32, #tpu.memory_space<vmem>>, %arg7: memref<128x8xf32, #tpu.memory_space<vmem>>, %arg8: memref<10240x8xf32, #tpu.memory_space<vmem_shared>>) attributes {dimension_semantics = [#tpu.dimension_semantics<core_parallel>, #tpu.dimension_semantics<subcore_parallel>], iteration_bounds = array<i64: 2, 16>, scalar_prefetch = 0 : i64, scratch_operands = 3 : i64, tpu.core_type = #tpu.core_type<sc_vector_subcore>, window_params = [{transform_indices = #map}, {transform_indices = #map1}, {transform_indices = #map1}, {transform_indices = #map}]} {
    %mul3A = arith.constant 16 : i32
    %mul3A_0 = arith.muli %arg0, %mul3A : i32
    %add3A = arith.addi %mul3A_0, %arg1 : i32
    "tpu.region"() ({
      %run_scoped3A = tpu.sem_alloc : memref<!tpu.dma_semaphore, #tpu.memory_space<semaphore_mem>>
      tpu.enqueue_dma source(%arg4 : memref<128x8xf32, #tpu.memory_space<hbm>>) target(%arg7 : memref<128x8xf32, #tpu.memory_space<vmem>>) target_semaphore(%run_scoped3A : memref<!tpu.dma_semaphore, #tpu.memory_space<semaphore_mem>>)
      tpu.wait_dma2 semaphore(%run_scoped3A : memref<!tpu.dma_semaphore, #tpu.memory_space<semaphore_mem>>) src(%arg4 : memref<128x8xf32, #tpu.memory_space<hbm>>) dst(%arg7 : memref<128x8xf32, #tpu.memory_space<vmem>>)
      tpu.yield
    }) : () -> ()
    %scan3A = arith.constant 0 : i32
    %scan3A_1 = arith.constant 0 : i32
    %scan3A_2 = arith.constant 5 : i32
    %scan3A_3 = arith.addi %scan3A_1, %scan3A_2 : i32
    %scan3A_4 = arith.constant 1 : i32
    scf.for %scan3A_19 = %scan3A_1 to %scan3A_3 step %scan3A_4  : i32 {
      %mul3A_20 = arith.constant 640 : i32
      %mul3A_21 = arith.muli %arg1, %mul3A_20 : i32
      %mul3A_22 = arith.constant 128 : i32
      %mul3A_23 = arith.muli %scan3A_19, %mul3A_22 : i32
      %add3A_24 = arith.addi %mul3A_21, %mul3A_23 : i32
      "tpu.region"() ({
        %run_scoped3A = tpu.sem_alloc : memref<!tpu.dma_semaphore, #tpu.memory_space<semaphore_mem>>
        %dma_start3A = arith.constant 0 : i32
        %dma_start3A_25 = tpu.memref_slice %arg8[%add3A_24, %dma_start3A] : memref<10240x8xf32, #tpu.memory_space<vmem_shared>> -> memref<128x8xf32, #tpu.memory_space<vmem_shared>>
        %dma_start3A_26 = arith.constant 0 : i32
        %dma_start3A_27 = tpu.memref_slice %arg8[%add3A_24, %dma_start3A_26] : memref<10240x8xf32, #tpu.memory_space<vmem_shared>> -> memref<128x8xf32, #tpu.memory_space<vmem_shared>>
        tpu.enqueue_dma source(%arg7 : memref<128x8xf32, #tpu.memory_space<vmem>>) target(%dma_start3A_27 : memref<128x8xf32, #tpu.memory_space<vmem_shared>>) target_semaphore(%run_scoped3A : memref<!tpu.dma_semaphore, #tpu.memory_space<semaphore_mem>>)
        %dma_wait3A = arith.constant 0 : i32
        %dma_wait3A_28 = tpu.memref_slice %arg8[%add3A_24, %dma_wait3A] : memref<10240x8xf32, #tpu.memory_space<vmem_shared>> -> memref<128x8xf32, #tpu.memory_space<vmem_shared>>
        %dma_wait3A_29 = arith.constant 0 : i32
        %dma_wait3A_30 = tpu.memref_slice %arg8[%add3A_24, %dma_wait3A_29] : memref<10240x8xf32, #tpu.memory_space<vmem_shared>> -> memref<128x8xf32, #tpu.memory_space<vmem_shared>>
        tpu.wait_dma2 semaphore(%run_scoped3A : memref<!tpu.dma_semaphore, #tpu.memory_space<semaphore_mem>>) src(%arg7 : memref<128x8xf32, #tpu.memory_space<vmem>>) dst(%dma_wait3A_30 : memref<128x8xf32, #tpu.memory_space<vmem_shared>>)
        tpu.yield
      }) : () -> ()
    }
    %scan3A_5 = arith.constant 5 : i32
    %barrier3A = arith.constant 0 : index
    tpu.barrier barrier_id(%barrier3A)
    "tpu.region"() ({
      %run_scoped3A = tpu.sem_alloc : memref<!tpu.dma_semaphore, #tpu.memory_space<semaphore_mem>>
      %dma_start3A = arith.constant 0 : i32
      %dma_start3A_19 = arith.constant 0 : i32
      %dma_start3A_20 = tpu.memref_slice %arg2[%add3A, %dma_start3A, %dma_start3A_19] : memref<32x79x128xi32, #tpu.memory_space<hbm>> -> memref<1x79x128xi32, #tpu.memory_space<hbm>>
      %dma_start3A_21 = tpu.memref_squeeze %dma_start3A_20 : memref<1x79x128xi32, #tpu.memory_space<hbm>> -> memref<79x128xi32, #tpu.memory_space<hbm>>
      %dma_start3A_22 = arith.constant 0 : i32
      %dma_start3A_23 = arith.constant 0 : i32
      %dma_start3A_24 = tpu.memref_slice %arg2[%add3A, %dma_start3A_22, %dma_start3A_23] : memref<32x79x128xi32, #tpu.memory_space<hbm>> -> memref<1x79x128xi32, #tpu.memory_space<hbm>>
      %dma_start3A_25 = tpu.memref_squeeze %dma_start3A_24 : memref<1x79x128xi32, #tpu.memory_space<hbm>> -> memref<79x128xi32, #tpu.memory_space<hbm>>
      tpu.enqueue_dma source(%dma_start3A_25 : memref<79x128xi32, #tpu.memory_space<hbm>>) target(%arg6 : memref<79x128xi32, #tpu.memory_space<vmem>>) target_semaphore(%run_scoped3A : memref<!tpu.dma_semaphore, #tpu.memory_space<semaphore_mem>>)
      %dma_wait3A = arith.constant 0 : i32
      %dma_wait3A_26 = arith.constant 0 : i32
      %dma_wait3A_27 = tpu.memref_slice %arg2[%add3A, %dma_wait3A, %dma_wait3A_26] : memref<32x79x128xi32, #tpu.memory_space<hbm>> -> memref<1x79x128xi32, #tpu.memory_space<hbm>>
      %dma_wait3A_28 = tpu.memref_squeeze %dma_wait3A_27 : memref<1x79x128xi32, #tpu.memory_space<hbm>> -> memref<79x128xi32, #tpu.memory_space<hbm>>
      %dma_wait3A_29 = arith.constant 0 : i32
      %dma_wait3A_30 = arith.constant 0 : i32
      %dma_wait3A_31 = tpu.memref_slice %arg2[%add3A, %dma_wait3A_29, %dma_wait3A_30] : memref<32x79x128xi32, #tpu.memory_space<hbm>> -> memref<1x79x128xi32, #tpu.memory_space<hbm>>
      %dma_wait3A_32 = tpu.memref_squeeze %dma_wait3A_31 : memref<1x79x128xi32, #tpu.memory_space<hbm>> -> memref<79x128xi32, #tpu.memory_space<hbm>>
      tpu.wait_dma2 semaphore(%run_scoped3A : memref<!tpu.dma_semaphore, #tpu.memory_space<semaphore_mem>>) src(%dma_wait3A_32 : memref<79x128xi32, #tpu.memory_space<hbm>>) dst(%arg6 : memref<79x128xi32, #tpu.memory_space<vmem>>)
      tpu.yield
    }) : () -> ()
    "tpu.region"() ({
      %run_scoped3A = tpu.sem_alloc : memref<!tpu.dma_semaphore, #tpu.memory_space<semaphore_mem>>
      tpu.enqueue_dma source(%arg3 : memref<128x8xf32, #tpu.memory_space<hbm>>) target(%arg7 : memref<128x8xf32, #tpu.memory_space<vmem>>) target_semaphore(%run_scoped3A : memref<!tpu.dma_semaphore, #tpu.memory_space<semaphore_mem>>)
      tpu.wait_dma2 semaphore(%run_scoped3A : memref<!tpu.dma_semaphore, #tpu.memory_space<semaphore_mem>>) src(%arg3 : memref<128x8xf32, #tpu.memory_space<hbm>>) dst(%arg7 : memref<128x8xf32, #tpu.memory_space<vmem>>)
      tpu.yield
    }) : () -> ()
    %scan3A_6 = arith.constant 0 : i32
    %scan3A_7 = arith.constant 0 : i32
    %scan3A_8 = arith.constant 79 : i32
    %scan3A_9 = arith.addi %scan3A_7, %scan3A_8 : i32
    %scan3A_10 = arith.constant 1 : i32
    scf.for %scan3A_19 = %scan3A_7 to %scan3A_9 step %scan3A_10  : i32 {
      "tpu.region"() ({
        %run_scoped3A = tpu.sem_alloc : memref<!tpu.dma_semaphore, #tpu.memory_space<semaphore_mem>>
        %dma_start3A = arith.constant 0 : i32
        %dma_start3A_20 = tpu.memref_slice %arg6[%scan3A_19, %dma_start3A] : memref<79x128xi32, #tpu.memory_space<vmem>> -> memref<1x128xi32, #tpu.memory_space<vmem>>
        %dma_start3A_21 = tpu.memref_squeeze %dma_start3A_20 : memref<1x128xi32, #tpu.memory_space<vmem>> -> memref<128xi32, #tpu.memory_space<vmem>>
        %dma_start3A_22 = arith.constant 0 : i32
        %dma_start3A_23 = arith.constant 0 : i32
        %dma_start3A_24 = tpu.memref_slice %arg8[%dma_start3A_22, %dma_start3A_23] : memref<10240x8xf32, #tpu.memory_space<vmem_shared>> -> memref<10240x8xf32, #tpu.memory_space<vmem_shared>>
        tpu.enqueue_indirect_dma source(%arg7 : memref<128x8xf32, #tpu.memory_space<vmem>>) target(%dma_start3A_24 : memref<10240x8xf32, #tpu.memory_space<vmem_shared>>) offsets(%dma_start3A_21 : memref<128xi32, #tpu.memory_space<vmem>>) semaphore(%run_scoped3A : memref<!tpu.dma_semaphore, #tpu.memory_space<semaphore_mem>>) {add = true}
        %dma_wait3A = arith.constant 0 : i32
        %dma_wait3A_25 = tpu.memref_slice %arg6[%scan3A_19, %dma_wait3A] : memref<79x128xi32, #tpu.memory_space<vmem>> -> memref<1x128xi32, #tpu.memory_space<vmem>>
        %dma_wait3A_26 = tpu.memref_squeeze %dma_wait3A_25 : memref<1x128xi32, #tpu.memory_space<vmem>> -> memref<128xi32, #tpu.memory_space<vmem>>
        %dma_wait3A_27 = arith.constant 0 : i32
        %dma_wait3A_28 = arith.constant 0 : i32
        %dma_wait3A_29 = tpu.memref_slice %arg8[%dma_wait3A_27, %dma_wait3A_28] : memref<10240x8xf32, #tpu.memory_space<vmem_shared>> -> memref<10240x8xf32, #tpu.memory_space<vmem_shared>>
        tpu.wait_indirect_dma semaphore(%run_scoped3A : memref<!tpu.dma_semaphore, #tpu.memory_space<semaphore_mem>>) src(%arg7 : memref<128x8xf32, #tpu.memory_space<vmem>>) dst(%dma_wait3A_29 : memref<10240x8xf32, #tpu.memory_space<vmem_shared>>)
        tpu.yield
      }) : () -> ()
    }
    %scan3A_11 = arith.constant 79 : i32
    %barrier3A_12 = arith.constant 0 : index
    tpu.barrier barrier_id(%barrier3A_12)
    %scan3A_13 = arith.constant 0 : i32
    %scan3A_14 = arith.constant 0 : i32
    %scan3A_15 = arith.constant 5 : i32
    %scan3A_16 = arith.addi %scan3A_14, %scan3A_15 : i32
    %scan3A_17 = arith.constant 1 : i32
    scf.for %scan3A_19 = %scan3A_14 to %scan3A_16 step %scan3A_17  : i32 {
      %mul3A_20 = arith.constant 640 : i32
      %mul3A_21 = arith.muli %arg1, %mul3A_20 : i32
      %mul3A_22 = arith.constant 128 : i32
      %mul3A_23 = arith.muli %scan3A_19, %mul3A_22 : i32
      %add3A_24 = arith.addi %mul3A_21, %mul3A_23 : i32
      "tpu.region"() ({
        %run_scoped3A = tpu.sem_alloc : memref<!tpu.dma_semaphore, #tpu.memory_space<semaphore_mem>>
        %dma_start3A = arith.constant 0 : i32
        %dma_start3A_30 = tpu.memref_slice %arg8[%add3A_24, %dma_start3A] : memref<10240x8xf32, #tpu.memory_space<vmem_shared>> -> memref<128x8xf32, #tpu.memory_space<vmem_shared>>
        %dma_start3A_31 = arith.constant 0 : i32
        %dma_start3A_32 = tpu.memref_slice %arg8[%add3A_24, %dma_start3A_31] : memref<10240x8xf32, #tpu.memory_space<vmem_shared>> -> memref<128x8xf32, #tpu.memory_space<vmem_shared>>
        tpu.enqueue_dma source(%dma_start3A_32 : memref<128x8xf32, #tpu.memory_space<vmem_shared>>) target(%arg7 : memref<128x8xf32, #tpu.memory_space<vmem>>) target_semaphore(%run_scoped3A : memref<!tpu.dma_semaphore, #tpu.memory_space<semaphore_mem>>)
        %dma_wait3A = arith.constant 0 : i32
        %dma_wait3A_33 = tpu.memref_slice %arg8[%add3A_24, %dma_wait3A] : memref<10240x8xf32, #tpu.memory_space<vmem_shared>> -> memref<128x8xf32, #tpu.memory_space<vmem_shared>>
        %dma_wait3A_34 = arith.constant 0 : i32
        %dma_wait3A_35 = tpu.memref_slice %arg8[%add3A_24, %dma_wait3A_34] : memref<10240x8xf32, #tpu.memory_space<vmem_shared>> -> memref<128x8xf32, #tpu.memory_space<vmem_shared>>
        tpu.wait_dma2 semaphore(%run_scoped3A : memref<!tpu.dma_semaphore, #tpu.memory_space<semaphore_mem>>) src(%dma_wait3A_35 : memref<128x8xf32, #tpu.memory_space<vmem_shared>>) dst(%arg7 : memref<128x8xf32, #tpu.memory_space<vmem>>)
        tpu.yield
      }) : () -> ()
      %mul3A_25 = arith.constant 640 : i32
      %mul3A_26 = arith.muli %arg1, %mul3A_25 : i32
      %mul3A_27 = arith.constant 128 : i32
      %mul3A_28 = arith.muli %scan3A_19, %mul3A_27 : i32
      %add3A_29 = arith.addi %mul3A_26, %mul3A_28 : i32
      "tpu.region"() ({
        %run_scoped3A = tpu.sem_alloc : memref<!tpu.dma_semaphore, #tpu.memory_space<semaphore_mem>>
        %dma_start3A = arith.constant 0 : i32
        %dma_start3A_30 = tpu.memref_slice %arg5[%arg0, %add3A_29, %dma_start3A] : memref<2x10240x8xf32, #tpu.memory_space<hbm>> -> memref<1x128x8xf32, #tpu.memory_space<hbm>>
        %dma_start3A_31 = tpu.memref_squeeze %dma_start3A_30 : memref<1x128x8xf32, #tpu.memory_space<hbm>> -> memref<128x8xf32, #tpu.memory_space<hbm>>
        %dma_start3A_32 = arith.constant 0 : i32
        %dma_start3A_33 = tpu.memref_slice %arg5[%arg0, %add3A_29, %dma_start3A_32] : memref<2x10240x8xf32, #tpu.memory_space<hbm>> -> memref<1x128x8xf32, #tpu.memory_space<hbm>>
        %dma_start3A_34 = tpu.memref_squeeze %dma_start3A_33 : memref<1x128x8xf32, #tpu.memory_space<hbm>> -> memref<128x8xf32, #tpu.memory_space<hbm>>
        tpu.enqueue_dma source(%arg7 : memref<128x8xf32, #tpu.memory_space<vmem>>) target(%dma_start3A_34 : memref<128x8xf32, #tpu.memory_space<hbm>>) target_semaphore(%run_scoped3A : memref<!tpu.dma_semaphore, #tpu.memory_space<semaphore_mem>>)
        %dma_wait3A = arith.constant 0 : i32
        %dma_wait3A_35 = tpu.memref_slice %arg5[%arg0, %add3A_29, %dma_wait3A] : memref<2x10240x8xf32, #tpu.memory_space<hbm>> -> memref<1x128x8xf32, #tpu.memory_space<hbm>>
        %dma_wait3A_36 = tpu.memref_squeeze %dma_wait3A_35 : memref<1x128x8xf32, #tpu.memory_space<hbm>> -> memref<128x8xf32, #tpu.memory_space<hbm>>
        %dma_wait3A_37 = arith.constant 0 : i32
        %dma_wait3A_38 = tpu.memref_slice %arg5[%arg0, %add3A_29, %dma_wait3A_37] : memref<2x10240x8xf32, #tpu.memory_space<hbm>> -> memref<1x128x8xf32, #tpu.memory_space<hbm>>
        %dma_wait3A_39 = tpu.memref_squeeze %dma_wait3A_38 : memref<1x128x8xf32, #tpu.memory_space<hbm>> -> memref<128x8xf32, #tpu.memory_space<hbm>>
        tpu.wait_dma2 semaphore(%run_scoped3A : memref<!tpu.dma_semaphore, #tpu.memory_space<semaphore_mem>>) src(%arg7 : memref<128x8xf32, #tpu.memory_space<vmem>>) dst(%dma_wait3A_39 : memref<128x8xf32, #tpu.memory_space<hbm>>)
        tpu.yield
      }) : () -> ()
    }
    %scan3A_18 = arith.constant 5 : i32
    return
  }
}

#map = affine_map<(d0, d1) -> (0, 0)>
#map1 = affine_map<(d0, d1) -> (0, 0, 0)>
module attributes {stable_mosaic.version = 14 : i64} {
  func.func @body(%arg0: i32, %arg1: i32, %arg2: memref<10240x128xf32, #tpu.memory_space<hbm>>, %arg3: memref<32x79x128xi32, #tpu.memory_space<hbm>>, %arg4: memref<32x79x128xi32, #tpu.memory_space<hbm>>, %arg5: memref<128x128xf32, #tpu.memory_space<hbm>>, %arg6: memref<2x10240x128xf32, #tpu.memory_space<hbm>>, %arg7: memref<79x128xi32, #tpu.memory_space<vmem>>, %arg8: memref<79x128xi32, #tpu.memory_space<vmem>>, %arg9: memref<128x128xf32, #tpu.memory_space<vmem>>, %arg10: memref<10240x128xf32, #tpu.memory_space<vmem_shared>>, %arg11: memref<!tpu.dma_semaphore, #tpu.memory_space<semaphore_mem>>) attributes {dimension_semantics = [#tpu.dimension_semantics<core_parallel>, #tpu.dimension_semantics<subcore_parallel>], iteration_bounds = array<i64: 2, 16>, scalar_prefetch = 0 : i64, scratch_operands = 5 : i64, tpu.core_type = #tpu.core_type<sc_vector_subcore>, window_params = [{transform_indices = #map}, {transform_indices = #map1}, {transform_indices = #map1}, {transform_indices = #map}, {transform_indices = #map1}]} {
    %mul3A = arith.constant 16 : i32
    %mul3A_0 = arith.muli %arg0, %mul3A : i32
    %add3A = arith.addi %mul3A_0, %arg1 : i32
    "tpu.region"() ({
      %run_scoped3A = tpu.sem_alloc : memref<!tpu.dma_semaphore, #tpu.memory_space<semaphore_mem>>
      tpu.enqueue_dma source(%arg5 : memref<128x128xf32, #tpu.memory_space<hbm>>) target(%arg9 : memref<128x128xf32, #tpu.memory_space<vmem>>) target_semaphore(%run_scoped3A : memref<!tpu.dma_semaphore, #tpu.memory_space<semaphore_mem>>)
      tpu.wait_dma2 semaphore(%run_scoped3A : memref<!tpu.dma_semaphore, #tpu.memory_space<semaphore_mem>>) src(%arg5 : memref<128x128xf32, #tpu.memory_space<hbm>>) dst(%arg9 : memref<128x128xf32, #tpu.memory_space<vmem>>)
      tpu.yield
    }) : () -> ()
    %scan3A = arith.constant 0 : i32
    %scan3A_1 = arith.constant 0 : i32
    %scan3A_2 = arith.constant 5 : i32
    %scan3A_3 = arith.addi %scan3A_1, %scan3A_2 : i32
    %scan3A_4 = arith.constant 1 : i32
    scf.for %scan3A_17 = %scan3A_1 to %scan3A_3 step %scan3A_4  : i32 {
      %mul3A_18 = arith.constant 640 : i32
      %mul3A_19 = arith.muli %arg1, %mul3A_18 : i32
      %mul3A_20 = arith.constant 128 : i32
      %mul3A_21 = arith.muli %scan3A_17, %mul3A_20 : i32
      %add3A_22 = arith.addi %mul3A_19, %mul3A_21 : i32
      "tpu.region"() ({
        %run_scoped3A = tpu.sem_alloc : memref<!tpu.dma_semaphore, #tpu.memory_space<semaphore_mem>>
        %dma_start3A = arith.constant 0 : i32
        %dma_start3A_23 = tpu.memref_slice %arg10[%add3A_22, %dma_start3A] : memref<10240x128xf32, #tpu.memory_space<vmem_shared>> -> memref<128x128xf32, #tpu.memory_space<vmem_shared>>
        %dma_start3A_24 = arith.constant 0 : i32
        %dma_start3A_25 = tpu.memref_slice %arg10[%add3A_22, %dma_start3A_24] : memref<10240x128xf32, #tpu.memory_space<vmem_shared>> -> memref<128x128xf32, #tpu.memory_space<vmem_shared>>
        tpu.enqueue_dma source(%arg9 : memref<128x128xf32, #tpu.memory_space<vmem>>) target(%dma_start3A_25 : memref<128x128xf32, #tpu.memory_space<vmem_shared>>) target_semaphore(%run_scoped3A : memref<!tpu.dma_semaphore, #tpu.memory_space<semaphore_mem>>)
        %dma_wait3A = arith.constant 0 : i32
        %dma_wait3A_26 = tpu.memref_slice %arg10[%add3A_22, %dma_wait3A] : memref<10240x128xf32, #tpu.memory_space<vmem_shared>> -> memref<128x128xf32, #tpu.memory_space<vmem_shared>>
        %dma_wait3A_27 = arith.constant 0 : i32
        %dma_wait3A_28 = tpu.memref_slice %arg10[%add3A_22, %dma_wait3A_27] : memref<10240x128xf32, #tpu.memory_space<vmem_shared>> -> memref<128x128xf32, #tpu.memory_space<vmem_shared>>
        tpu.wait_dma2 semaphore(%run_scoped3A : memref<!tpu.dma_semaphore, #tpu.memory_space<semaphore_mem>>) src(%arg9 : memref<128x128xf32, #tpu.memory_space<vmem>>) dst(%dma_wait3A_28 : memref<128x128xf32, #tpu.memory_space<vmem_shared>>)
        tpu.yield
      }) : () -> ()
    }
    %scan3A_5 = arith.constant 5 : i32
    "tpu.region"() ({
      %run_scoped3A = tpu.sem_alloc : memref<!tpu.dma_semaphore, #tpu.memory_space<semaphore_mem>>
      %dma_start3A = arith.constant 0 : i32
      %dma_start3A_17 = arith.constant 0 : i32
      %dma_start3A_18 = tpu.memref_slice %arg3[%add3A, %dma_start3A, %dma_start3A_17] : memref<32x79x128xi32, #tpu.memory_space<hbm>> -> memref<1x79x128xi32, #tpu.memory_space<hbm>>
      %dma_start3A_19 = tpu.memref_squeeze %dma_start3A_18 : memref<1x79x128xi32, #tpu.memory_space<hbm>> -> memref<79x128xi32, #tpu.memory_space<hbm>>
      %dma_start3A_20 = arith.constant 0 : i32
      %dma_start3A_21 = arith.constant 0 : i32
      %dma_start3A_22 = tpu.memref_slice %arg3[%add3A, %dma_start3A_20, %dma_start3A_21] : memref<32x79x128xi32, #tpu.memory_space<hbm>> -> memref<1x79x128xi32, #tpu.memory_space<hbm>>
      %dma_start3A_23 = tpu.memref_squeeze %dma_start3A_22 : memref<1x79x128xi32, #tpu.memory_space<hbm>> -> memref<79x128xi32, #tpu.memory_space<hbm>>
      tpu.enqueue_dma source(%dma_start3A_23 : memref<79x128xi32, #tpu.memory_space<hbm>>) target(%arg7 : memref<79x128xi32, #tpu.memory_space<vmem>>) target_semaphore(%run_scoped3A : memref<!tpu.dma_semaphore, #tpu.memory_space<semaphore_mem>>)
      %dma_wait3A = arith.constant 0 : i32
      %dma_wait3A_24 = arith.constant 0 : i32
      %dma_wait3A_25 = tpu.memref_slice %arg3[%add3A, %dma_wait3A, %dma_wait3A_24] : memref<32x79x128xi32, #tpu.memory_space<hbm>> -> memref<1x79x128xi32, #tpu.memory_space<hbm>>
      %dma_wait3A_26 = tpu.memref_squeeze %dma_wait3A_25 : memref<1x79x128xi32, #tpu.memory_space<hbm>> -> memref<79x128xi32, #tpu.memory_space<hbm>>
      %dma_wait3A_27 = arith.constant 0 : i32
      %dma_wait3A_28 = arith.constant 0 : i32
      %dma_wait3A_29 = tpu.memref_slice %arg3[%add3A, %dma_wait3A_27, %dma_wait3A_28] : memref<32x79x128xi32, #tpu.memory_space<hbm>> -> memref<1x79x128xi32, #tpu.memory_space<hbm>>
      %dma_wait3A_30 = tpu.memref_squeeze %dma_wait3A_29 : memref<1x79x128xi32, #tpu.memory_space<hbm>> -> memref<79x128xi32, #tpu.memory_space<hbm>>
      tpu.wait_dma2 semaphore(%run_scoped3A : memref<!tpu.dma_semaphore, #tpu.memory_space<semaphore_mem>>) src(%dma_wait3A_30 : memref<79x128xi32, #tpu.memory_space<hbm>>) dst(%arg7 : memref<79x128xi32, #tpu.memory_space<vmem>>)
      tpu.yield
    }) : () -> ()
    "tpu.region"() ({
      %run_scoped3A = tpu.sem_alloc : memref<!tpu.dma_semaphore, #tpu.memory_space<semaphore_mem>>
      %dma_start3A = arith.constant 0 : i32
      %dma_start3A_17 = arith.constant 0 : i32
      %dma_start3A_18 = tpu.memref_slice %arg4[%add3A, %dma_start3A, %dma_start3A_17] : memref<32x79x128xi32, #tpu.memory_space<hbm>> -> memref<1x79x128xi32, #tpu.memory_space<hbm>>
      %dma_start3A_19 = tpu.memref_squeeze %dma_start3A_18 : memref<1x79x128xi32, #tpu.memory_space<hbm>> -> memref<79x128xi32, #tpu.memory_space<hbm>>
      %dma_start3A_20 = arith.constant 0 : i32
      %dma_start3A_21 = arith.constant 0 : i32
      %dma_start3A_22 = tpu.memref_slice %arg4[%add3A, %dma_start3A_20, %dma_start3A_21] : memref<32x79x128xi32, #tpu.memory_space<hbm>> -> memref<1x79x128xi32, #tpu.memory_space<hbm>>
      %dma_start3A_23 = tpu.memref_squeeze %dma_start3A_22 : memref<1x79x128xi32, #tpu.memory_space<hbm>> -> memref<79x128xi32, #tpu.memory_space<hbm>>
      tpu.enqueue_dma source(%dma_start3A_23 : memref<79x128xi32, #tpu.memory_space<hbm>>) target(%arg8 : memref<79x128xi32, #tpu.memory_space<vmem>>) target_semaphore(%run_scoped3A : memref<!tpu.dma_semaphore, #tpu.memory_space<semaphore_mem>>)
      %dma_wait3A = arith.constant 0 : i32
      %dma_wait3A_24 = arith.constant 0 : i32
      %dma_wait3A_25 = tpu.memref_slice %arg4[%add3A, %dma_wait3A, %dma_wait3A_24] : memref<32x79x128xi32, #tpu.memory_space<hbm>> -> memref<1x79x128xi32, #tpu.memory_space<hbm>>
      %dma_wait3A_26 = tpu.memref_squeeze %dma_wait3A_25 : memref<1x79x128xi32, #tpu.memory_space<hbm>> -> memref<79x128xi32, #tpu.memory_space<hbm>>
      %dma_wait3A_27 = arith.constant 0 : i32
      %dma_wait3A_28 = arith.constant 0 : i32
      %dma_wait3A_29 = tpu.memref_slice %arg4[%add3A, %dma_wait3A_27, %dma_wait3A_28] : memref<32x79x128xi32, #tpu.memory_space<hbm>> -> memref<1x79x128xi32, #tpu.memory_space<hbm>>
      %dma_wait3A_30 = tpu.memref_squeeze %dma_wait3A_29 : memref<1x79x128xi32, #tpu.memory_space<hbm>> -> memref<79x128xi32, #tpu.memory_space<hbm>>
      tpu.wait_dma2 semaphore(%run_scoped3A : memref<!tpu.dma_semaphore, #tpu.memory_space<semaphore_mem>>) src(%dma_wait3A_30 : memref<79x128xi32, #tpu.memory_space<hbm>>) dst(%arg8 : memref<79x128xi32, #tpu.memory_space<vmem>>)
      tpu.yield
    }) : () -> ()
    %barrier3A = arith.constant 0 : index
    tpu.barrier barrier_id(%barrier3A)
    %scan3A_6 = arith.constant 0 : i32
    %scan3A_7 = arith.constant 0 : i32
    %scan3A_8 = arith.constant 79 : i32
    %scan3A_9 = arith.addi %scan3A_7, %scan3A_8 : i32
    %scan3A_10 = arith.constant 1 : i32
    scf.for %scan3A_17 = %scan3A_7 to %scan3A_9 step %scan3A_10  : i32 {
      %dma_start3A = arith.constant 0 : i32
      %dma_start3A_18 = tpu.memref_slice %arg7[%scan3A_17, %dma_start3A] : memref<79x128xi32, #tpu.memory_space<vmem>> -> memref<1x128xi32, #tpu.memory_space<vmem>>
      %dma_start3A_19 = tpu.memref_squeeze %dma_start3A_18 : memref<1x128xi32, #tpu.memory_space<vmem>> -> memref<128xi32, #tpu.memory_space<vmem>>
      %dma_start3A_20 = arith.constant 0 : i32
      %dma_start3A_21 = arith.constant 0 : i32
      %dma_start3A_22 = tpu.memref_slice %arg2[%dma_start3A_20, %dma_start3A_21] : memref<10240x128xf32, #tpu.memory_space<hbm>> -> memref<10240x128xf32, #tpu.memory_space<hbm>>
      tpu.enqueue_indirect_dma source(%dma_start3A_22 : memref<10240x128xf32, #tpu.memory_space<hbm>>) target(%arg9 : memref<128x128xf32, #tpu.memory_space<vmem>>) offsets(%dma_start3A_19 : memref<128xi32, #tpu.memory_space<vmem>>) semaphore(%arg11 : memref<!tpu.dma_semaphore, #tpu.memory_space<semaphore_mem>>)
      %dma_wait3A = arith.constant 0 : i32
      %dma_wait3A_23 = tpu.memref_slice %arg7[%scan3A_17, %dma_wait3A] : memref<79x128xi32, #tpu.memory_space<vmem>> -> memref<1x128xi32, #tpu.memory_space<vmem>>
      %dma_wait3A_24 = tpu.memref_squeeze %dma_wait3A_23 : memref<1x128xi32, #tpu.memory_space<vmem>> -> memref<128xi32, #tpu.memory_space<vmem>>
      %dma_wait3A_25 = arith.constant 0 : i32
      %dma_wait3A_26 = arith.constant 0 : i32
      %dma_wait3A_27 = tpu.memref_slice %arg2[%dma_wait3A_25, %dma_wait3A_26] : memref<10240x128xf32, #tpu.memory_space<hbm>> -> memref<10240x128xf32, #tpu.memory_space<hbm>>
      tpu.wait_indirect_dma semaphore(%arg11 : memref<!tpu.dma_semaphore, #tpu.memory_space<semaphore_mem>>) src(%dma_wait3A_27 : memref<10240x128xf32, #tpu.memory_space<hbm>>) dst(%arg9 : memref<128x128xf32, #tpu.memory_space<vmem>>)
      "tpu.region"() ({
        %run_scoped3A = tpu.sem_alloc : memref<!tpu.dma_semaphore, #tpu.memory_space<semaphore_mem>>
        %dma_start3A_28 = arith.constant 0 : i32
        %dma_start3A_29 = tpu.memref_slice %arg8[%scan3A_17, %dma_start3A_28] : memref<79x128xi32, #tpu.memory_space<vmem>> -> memref<1x128xi32, #tpu.memory_space<vmem>>
        %dma_start3A_30 = tpu.memref_squeeze %dma_start3A_29 : memref<1x128xi32, #tpu.memory_space<vmem>> -> memref<128xi32, #tpu.memory_space<vmem>>
        %dma_start3A_31 = arith.constant 0 : i32
        %dma_start3A_32 = arith.constant 0 : i32
        %dma_start3A_33 = tpu.memref_slice %arg10[%dma_start3A_31, %dma_start3A_32] : memref<10240x128xf32, #tpu.memory_space<vmem_shared>> -> memref<10240x128xf32, #tpu.memory_space<vmem_shared>>
        tpu.enqueue_indirect_dma source(%arg9 : memref<128x128xf32, #tpu.memory_space<vmem>>) target(%dma_start3A_33 : memref<10240x128xf32, #tpu.memory_space<vmem_shared>>) offsets(%dma_start3A_30 : memref<128xi32, #tpu.memory_space<vmem>>) semaphore(%run_scoped3A : memref<!tpu.dma_semaphore, #tpu.memory_space<semaphore_mem>>) {add = true}
        %dma_wait3A_34 = arith.constant 0 : i32
        %dma_wait3A_35 = tpu.memref_slice %arg8[%scan3A_17, %dma_wait3A_34] : memref<79x128xi32, #tpu.memory_space<vmem>> -> memref<1x128xi32, #tpu.memory_space<vmem>>
        %dma_wait3A_36 = tpu.memref_squeeze %dma_wait3A_35 : memref<1x128xi32, #tpu.memory_space<vmem>> -> memref<128xi32, #tpu.memory_space<vmem>>
        %dma_wait3A_37 = arith.constant 0 : i32
        %dma_wait3A_38 = arith.constant 0 : i32
        %dma_wait3A_39 = tpu.memref_slice %arg10[%dma_wait3A_37, %dma_wait3A_38] : memref<10240x128xf32, #tpu.memory_space<vmem_shared>> -> memref<10240x128xf32, #tpu.memory_space<vmem_shared>>
        tpu.wait_indirect_dma semaphore(%run_scoped3A : memref<!tpu.dma_semaphore, #tpu.memory_space<semaphore_mem>>) src(%arg9 : memref<128x128xf32, #tpu.memory_space<vmem>>) dst(%dma_wait3A_39 : memref<10240x128xf32, #tpu.memory_space<vmem_shared>>)
        tpu.yield
      }) : () -> ()
    }
    %scan3A_11 = arith.constant 79 : i32
    %barrier3A_12 = arith.constant 0 : index
    tpu.barrier barrier_id(%barrier3A_12)
    %mul3A_13 = arith.constant 640 : i32
    %mul3A_14 = arith.muli %arg1, %mul3A_13 : i32
    %mul3A_15 = arith.constant 640 : i32
    %mul3A_16 = arith.muli %arg1, %mul3A_15 : i32
    "tpu.region"() ({
      %run_scoped3A = tpu.sem_alloc : memref<!tpu.dma_semaphore, #tpu.memory_space<semaphore_mem>>
      %dma_start3A = arith.constant 0 : i32
      %dma_start3A_17 = tpu.memref_slice %arg6[%arg0, %mul3A_16, %dma_start3A] : memref<2x10240x128xf32, #tpu.memory_space<hbm>> -> memref<1x640x128xf32, #tpu.memory_space<hbm>>
      %dma_start3A_18 = tpu.memref_squeeze %dma_start3A_17 : memref<1x640x128xf32, #tpu.memory_space<hbm>> -> memref<640x128xf32, #tpu.memory_space<hbm>>
      %dma_start3A_19 = arith.constant 0 : i32
      %dma_start3A_20 = tpu.memref_slice %arg10[%mul3A_14, %dma_start3A_19] : memref<10240x128xf32, #tpu.memory_space<vmem_shared>> -> memref<640x128xf32, #tpu.memory_space<vmem_shared>>
      tpu.enqueue_dma source(%dma_start3A_20 : memref<640x128xf32, #tpu.memory_space<vmem_shared>>) target(%dma_start3A_18 : memref<640x128xf32, #tpu.memory_space<hbm>>) target_semaphore(%run_scoped3A : memref<!tpu.dma_semaphore, #tpu.memory_space<semaphore_mem>>)
      %dma_wait3A = arith.constant 0 : i32
      %dma_wait3A_21 = tpu.memref_slice %arg6[%arg0, %mul3A_16, %dma_wait3A] : memref<2x10240x128xf32, #tpu.memory_space<hbm>> -> memref<1x640x128xf32, #tpu.memory_space<hbm>>
      %dma_wait3A_22 = tpu.memref_squeeze %dma_wait3A_21 : memref<1x640x128xf32, #tpu.memory_space<hbm>> -> memref<640x128xf32, #tpu.memory_space<hbm>>
      %dma_wait3A_23 = arith.constant 0 : i32
      %dma_wait3A_24 = tpu.memref_slice %arg10[%mul3A_14, %dma_wait3A_23] : memref<10240x128xf32, #tpu.memory_space<vmem_shared>> -> memref<640x128xf32, #tpu.memory_space<vmem_shared>>
      tpu.wait_dma2 semaphore(%run_scoped3A : memref<!tpu.dma_semaphore, #tpu.memory_space<semaphore_mem>>) src(%dma_wait3A_24 : memref<640x128xf32, #tpu.memory_space<vmem_shared>>) dst(%dma_wait3A_22 : memref<640x128xf32, #tpu.memory_space<hbm>>)
      tpu.yield
    }) : () -> ()
    return
  }
}

#map = affine_map<(d0, d1) -> (0, 0)>
#map1 = affine_map<(d0, d1) -> (0, 0, 0)>
module attributes {stable_mosaic.version = 14 : i64} {
  func.func @body(%arg0: i32, %arg1: i32, %arg2: memref<10240x64xf32, #tpu.memory_space<hbm>>, %arg3: memref<32x79x128xi32, #tpu.memory_space<hbm>>, %arg4: memref<32x79x128xi32, #tpu.memory_space<hbm>>, %arg5: memref<128x64xf32, #tpu.memory_space<hbm>>, %arg6: memref<2x10240x64xf32, #tpu.memory_space<hbm>>, %arg7: memref<79x128xi32, #tpu.memory_space<vmem>>, %arg8: memref<79x128xi32, #tpu.memory_space<vmem>>, %arg9: memref<128x64xf32, #tpu.memory_space<vmem>>, %arg10: memref<10240x64xf32, #tpu.memory_space<vmem_shared>>, %arg11: memref<!tpu.dma_semaphore, #tpu.memory_space<semaphore_mem>>) attributes {dimension_semantics = [#tpu.dimension_semantics<core_parallel>, #tpu.dimension_semantics<subcore_parallel>], iteration_bounds = array<i64: 2, 16>, scalar_prefetch = 0 : i64, scratch_operands = 5 : i64, tpu.core_type = #tpu.core_type<sc_vector_subcore>, window_params = [{transform_indices = #map}, {transform_indices = #map1}, {transform_indices = #map1}, {transform_indices = #map}, {transform_indices = #map1}]} {
    %mul3A = arith.constant 16 : i32
    %mul3A_0 = arith.muli %arg0, %mul3A : i32
    %add3A = arith.addi %mul3A_0, %arg1 : i32
    "tpu.region"() ({
      %run_scoped3A = tpu.sem_alloc : memref<!tpu.dma_semaphore, #tpu.memory_space<semaphore_mem>>
      tpu.enqueue_dma source(%arg5 : memref<128x64xf32, #tpu.memory_space<hbm>>) target(%arg9 : memref<128x64xf32, #tpu.memory_space<vmem>>) target_semaphore(%run_scoped3A : memref<!tpu.dma_semaphore, #tpu.memory_space<semaphore_mem>>)
      tpu.wait_dma2 semaphore(%run_scoped3A : memref<!tpu.dma_semaphore, #tpu.memory_space<semaphore_mem>>) src(%arg5 : memref<128x64xf32, #tpu.memory_space<hbm>>) dst(%arg9 : memref<128x64xf32, #tpu.memory_space<vmem>>)
      tpu.yield
    }) : () -> ()
    %scan3A = arith.constant 0 : i32
    %scan3A_1 = arith.constant 0 : i32
    %scan3A_2 = arith.constant 5 : i32
    %scan3A_3 = arith.addi %scan3A_1, %scan3A_2 : i32
    %scan3A_4 = arith.constant 1 : i32
    scf.for %scan3A_17 = %scan3A_1 to %scan3A_3 step %scan3A_4  : i32 {
      %mul3A_18 = arith.constant 640 : i32
      %mul3A_19 = arith.muli %arg1, %mul3A_18 : i32
      %mul3A_20 = arith.constant 128 : i32
      %mul3A_21 = arith.muli %scan3A_17, %mul3A_20 : i32
      %add3A_22 = arith.addi %mul3A_19, %mul3A_21 : i32
      "tpu.region"() ({
        %run_scoped3A = tpu.sem_alloc : memref<!tpu.dma_semaphore, #tpu.memory_space<semaphore_mem>>
        %dma_start3A = arith.constant 0 : i32
        %dma_start3A_23 = tpu.memref_slice %arg10[%add3A_22, %dma_start3A] : memref<10240x64xf32, #tpu.memory_space<vmem_shared>> -> memref<128x64xf32, #tpu.memory_space<vmem_shared>>
        %dma_start3A_24 = arith.constant 0 : i32
        %dma_start3A_25 = tpu.memref_slice %arg10[%add3A_22, %dma_start3A_24] : memref<10240x64xf32, #tpu.memory_space<vmem_shared>> -> memref<128x64xf32, #tpu.memory_space<vmem_shared>>
        tpu.enqueue_dma source(%arg9 : memref<128x64xf32, #tpu.memory_space<vmem>>) target(%dma_start3A_25 : memref<128x64xf32, #tpu.memory_space<vmem_shared>>) target_semaphore(%run_scoped3A : memref<!tpu.dma_semaphore, #tpu.memory_space<semaphore_mem>>)
        %dma_wait3A = arith.constant 0 : i32
        %dma_wait3A_26 = tpu.memref_slice %arg10[%add3A_22, %dma_wait3A] : memref<10240x64xf32, #tpu.memory_space<vmem_shared>> -> memref<128x64xf32, #tpu.memory_space<vmem_shared>>
        %dma_wait3A_27 = arith.constant 0 : i32
        %dma_wait3A_28 = tpu.memref_slice %arg10[%add3A_22, %dma_wait3A_27] : memref<10240x64xf32, #tpu.memory_space<vmem_shared>> -> memref<128x64xf32, #tpu.memory_space<vmem_shared>>
        tpu.wait_dma2 semaphore(%run_scoped3A : memref<!tpu.dma_semaphore, #tpu.memory_space<semaphore_mem>>) src(%arg9 : memref<128x64xf32, #tpu.memory_space<vmem>>) dst(%dma_wait3A_28 : memref<128x64xf32, #tpu.memory_space<vmem_shared>>)
        tpu.yield
      }) : () -> ()
    }
    %scan3A_5 = arith.constant 5 : i32
    "tpu.region"() ({
      %run_scoped3A = tpu.sem_alloc : memref<!tpu.dma_semaphore, #tpu.memory_space<semaphore_mem>>
      %dma_start3A = arith.constant 0 : i32
      %dma_start3A_17 = arith.constant 0 : i32
      %dma_start3A_18 = tpu.memref_slice %arg3[%add3A, %dma_start3A, %dma_start3A_17] : memref<32x79x128xi32, #tpu.memory_space<hbm>> -> memref<1x79x128xi32, #tpu.memory_space<hbm>>
      %dma_start3A_19 = tpu.memref_squeeze %dma_start3A_18 : memref<1x79x128xi32, #tpu.memory_space<hbm>> -> memref<79x128xi32, #tpu.memory_space<hbm>>
      %dma_start3A_20 = arith.constant 0 : i32
      %dma_start3A_21 = arith.constant 0 : i32
      %dma_start3A_22 = tpu.memref_slice %arg3[%add3A, %dma_start3A_20, %dma_start3A_21] : memref<32x79x128xi32, #tpu.memory_space<hbm>> -> memref<1x79x128xi32, #tpu.memory_space<hbm>>
      %dma_start3A_23 = tpu.memref_squeeze %dma_start3A_22 : memref<1x79x128xi32, #tpu.memory_space<hbm>> -> memref<79x128xi32, #tpu.memory_space<hbm>>
      tpu.enqueue_dma source(%dma_start3A_23 : memref<79x128xi32, #tpu.memory_space<hbm>>) target(%arg7 : memref<79x128xi32, #tpu.memory_space<vmem>>) target_semaphore(%run_scoped3A : memref<!tpu.dma_semaphore, #tpu.memory_space<semaphore_mem>>)
      %dma_wait3A = arith.constant 0 : i32
      %dma_wait3A_24 = arith.constant 0 : i32
      %dma_wait3A_25 = tpu.memref_slice %arg3[%add3A, %dma_wait3A, %dma_wait3A_24] : memref<32x79x128xi32, #tpu.memory_space<hbm>> -> memref<1x79x128xi32, #tpu.memory_space<hbm>>
      %dma_wait3A_26 = tpu.memref_squeeze %dma_wait3A_25 : memref<1x79x128xi32, #tpu.memory_space<hbm>> -> memref<79x128xi32, #tpu.memory_space<hbm>>
      %dma_wait3A_27 = arith.constant 0 : i32
      %dma_wait3A_28 = arith.constant 0 : i32
      %dma_wait3A_29 = tpu.memref_slice %arg3[%add3A, %dma_wait3A_27, %dma_wait3A_28] : memref<32x79x128xi32, #tpu.memory_space<hbm>> -> memref<1x79x128xi32, #tpu.memory_space<hbm>>
      %dma_wait3A_30 = tpu.memref_squeeze %dma_wait3A_29 : memref<1x79x128xi32, #tpu.memory_space<hbm>> -> memref<79x128xi32, #tpu.memory_space<hbm>>
      tpu.wait_dma2 semaphore(%run_scoped3A : memref<!tpu.dma_semaphore, #tpu.memory_space<semaphore_mem>>) src(%dma_wait3A_30 : memref<79x128xi32, #tpu.memory_space<hbm>>) dst(%arg7 : memref<79x128xi32, #tpu.memory_space<vmem>>)
      tpu.yield
    }) : () -> ()
    "tpu.region"() ({
      %run_scoped3A = tpu.sem_alloc : memref<!tpu.dma_semaphore, #tpu.memory_space<semaphore_mem>>
      %dma_start3A = arith.constant 0 : i32
      %dma_start3A_17 = arith.constant 0 : i32
      %dma_start3A_18 = tpu.memref_slice %arg4[%add3A, %dma_start3A, %dma_start3A_17] : memref<32x79x128xi32, #tpu.memory_space<hbm>> -> memref<1x79x128xi32, #tpu.memory_space<hbm>>
      %dma_start3A_19 = tpu.memref_squeeze %dma_start3A_18 : memref<1x79x128xi32, #tpu.memory_space<hbm>> -> memref<79x128xi32, #tpu.memory_space<hbm>>
      %dma_start3A_20 = arith.constant 0 : i32
      %dma_start3A_21 = arith.constant 0 : i32
      %dma_start3A_22 = tpu.memref_slice %arg4[%add3A, %dma_start3A_20, %dma_start3A_21] : memref<32x79x128xi32, #tpu.memory_space<hbm>> -> memref<1x79x128xi32, #tpu.memory_space<hbm>>
      %dma_start3A_23 = tpu.memref_squeeze %dma_start3A_22 : memref<1x79x128xi32, #tpu.memory_space<hbm>> -> memref<79x128xi32, #tpu.memory_space<hbm>>
      tpu.enqueue_dma source(%dma_start3A_23 : memref<79x128xi32, #tpu.memory_space<hbm>>) target(%arg8 : memref<79x128xi32, #tpu.memory_space<vmem>>) target_semaphore(%run_scoped3A : memref<!tpu.dma_semaphore, #tpu.memory_space<semaphore_mem>>)
      %dma_wait3A = arith.constant 0 : i32
      %dma_wait3A_24 = arith.constant 0 : i32
      %dma_wait3A_25 = tpu.memref_slice %arg4[%add3A, %dma_wait3A, %dma_wait3A_24] : memref<32x79x128xi32, #tpu.memory_space<hbm>> -> memref<1x79x128xi32, #tpu.memory_space<hbm>>
      %dma_wait3A_26 = tpu.memref_squeeze %dma_wait3A_25 : memref<1x79x128xi32, #tpu.memory_space<hbm>> -> memref<79x128xi32, #tpu.memory_space<hbm>>
      %dma_wait3A_27 = arith.constant 0 : i32
      %dma_wait3A_28 = arith.constant 0 : i32
      %dma_wait3A_29 = tpu.memref_slice %arg4[%add3A, %dma_wait3A_27, %dma_wait3A_28] : memref<32x79x128xi32, #tpu.memory_space<hbm>> -> memref<1x79x128xi32, #tpu.memory_space<hbm>>
      %dma_wait3A_30 = tpu.memref_squeeze %dma_wait3A_29 : memref<1x79x128xi32, #tpu.memory_space<hbm>> -> memref<79x128xi32, #tpu.memory_space<hbm>>
      tpu.wait_dma2 semaphore(%run_scoped3A : memref<!tpu.dma_semaphore, #tpu.memory_space<semaphore_mem>>) src(%dma_wait3A_30 : memref<79x128xi32, #tpu.memory_space<hbm>>) dst(%arg8 : memref<79x128xi32, #tpu.memory_space<vmem>>)
      tpu.yield
    }) : () -> ()
    %barrier3A = arith.constant 0 : index
    tpu.barrier barrier_id(%barrier3A)
    %scan3A_6 = arith.constant 0 : i32
    %scan3A_7 = arith.constant 0 : i32
    %scan3A_8 = arith.constant 79 : i32
    %scan3A_9 = arith.addi %scan3A_7, %scan3A_8 : i32
    %scan3A_10 = arith.constant 1 : i32
    scf.for %scan3A_17 = %scan3A_7 to %scan3A_9 step %scan3A_10  : i32 {
      %dma_start3A = arith.constant 0 : i32
      %dma_start3A_18 = tpu.memref_slice %arg7[%scan3A_17, %dma_start3A] : memref<79x128xi32, #tpu.memory_space<vmem>> -> memref<1x128xi32, #tpu.memory_space<vmem>>
      %dma_start3A_19 = tpu.memref_squeeze %dma_start3A_18 : memref<1x128xi32, #tpu.memory_space<vmem>> -> memref<128xi32, #tpu.memory_space<vmem>>
      %dma_start3A_20 = arith.constant 0 : i32
      %dma_start3A_21 = arith.constant 0 : i32
      %dma_start3A_22 = tpu.memref_slice %arg2[%dma_start3A_20, %dma_start3A_21] : memref<10240x64xf32, #tpu.memory_space<hbm>> -> memref<10240x64xf32, #tpu.memory_space<hbm>>
      tpu.enqueue_indirect_dma source(%dma_start3A_22 : memref<10240x64xf32, #tpu.memory_space<hbm>>) target(%arg9 : memref<128x64xf32, #tpu.memory_space<vmem>>) offsets(%dma_start3A_19 : memref<128xi32, #tpu.memory_space<vmem>>) semaphore(%arg11 : memref<!tpu.dma_semaphore, #tpu.memory_space<semaphore_mem>>)
      %dma_wait3A = arith.constant 0 : i32
      %dma_wait3A_23 = tpu.memref_slice %arg7[%scan3A_17, %dma_wait3A] : memref<79x128xi32, #tpu.memory_space<vmem>> -> memref<1x128xi32, #tpu.memory_space<vmem>>
      %dma_wait3A_24 = tpu.memref_squeeze %dma_wait3A_23 : memref<1x128xi32, #tpu.memory_space<vmem>> -> memref<128xi32, #tpu.memory_space<vmem>>
      %dma_wait3A_25 = arith.constant 0 : i32
      %dma_wait3A_26 = arith.constant 0 : i32
      %dma_wait3A_27 = tpu.memref_slice %arg2[%dma_wait3A_25, %dma_wait3A_26] : memref<10240x64xf32, #tpu.memory_space<hbm>> -> memref<10240x64xf32, #tpu.memory_space<hbm>>
      tpu.wait_indirect_dma semaphore(%arg11 : memref<!tpu.dma_semaphore, #tpu.memory_space<semaphore_mem>>) src(%dma_wait3A_27 : memref<10240x64xf32, #tpu.memory_space<hbm>>) dst(%arg9 : memref<128x64xf32, #tpu.memory_space<vmem>>)
      "tpu.region"() ({
        %run_scoped3A = tpu.sem_alloc : memref<!tpu.dma_semaphore, #tpu.memory_space<semaphore_mem>>
        %dma_start3A_28 = arith.constant 0 : i32
        %dma_start3A_29 = tpu.memref_slice %arg8[%scan3A_17, %dma_start3A_28] : memref<79x128xi32, #tpu.memory_space<vmem>> -> memref<1x128xi32, #tpu.memory_space<vmem>>
        %dma_start3A_30 = tpu.memref_squeeze %dma_start3A_29 : memref<1x128xi32, #tpu.memory_space<vmem>> -> memref<128xi32, #tpu.memory_space<vmem>>
        %dma_start3A_31 = arith.constant 0 : i32
        %dma_start3A_32 = arith.constant 0 : i32
        %dma_start3A_33 = tpu.memref_slice %arg10[%dma_start3A_31, %dma_start3A_32] : memref<10240x64xf32, #tpu.memory_space<vmem_shared>> -> memref<10240x64xf32, #tpu.memory_space<vmem_shared>>
        tpu.enqueue_indirect_dma source(%arg9 : memref<128x64xf32, #tpu.memory_space<vmem>>) target(%dma_start3A_33 : memref<10240x64xf32, #tpu.memory_space<vmem_shared>>) offsets(%dma_start3A_30 : memref<128xi32, #tpu.memory_space<vmem>>) semaphore(%run_scoped3A : memref<!tpu.dma_semaphore, #tpu.memory_space<semaphore_mem>>) {add = true}
        %dma_wait3A_34 = arith.constant 0 : i32
        %dma_wait3A_35 = tpu.memref_slice %arg8[%scan3A_17, %dma_wait3A_34] : memref<79x128xi32, #tpu.memory_space<vmem>> -> memref<1x128xi32, #tpu.memory_space<vmem>>
        %dma_wait3A_36 = tpu.memref_squeeze %dma_wait3A_35 : memref<1x128xi32, #tpu.memory_space<vmem>> -> memref<128xi32, #tpu.memory_space<vmem>>
        %dma_wait3A_37 = arith.constant 0 : i32
        %dma_wait3A_38 = arith.constant 0 : i32
        %dma_wait3A_39 = tpu.memref_slice %arg10[%dma_wait3A_37, %dma_wait3A_38] : memref<10240x64xf32, #tpu.memory_space<vmem_shared>> -> memref<10240x64xf32, #tpu.memory_space<vmem_shared>>
        tpu.wait_indirect_dma semaphore(%run_scoped3A : memref<!tpu.dma_semaphore, #tpu.memory_space<semaphore_mem>>) src(%arg9 : memref<128x64xf32, #tpu.memory_space<vmem>>) dst(%dma_wait3A_39 : memref<10240x64xf32, #tpu.memory_space<vmem_shared>>)
        tpu.yield
      }) : () -> ()
    }
    %scan3A_11 = arith.constant 79 : i32
    %barrier3A_12 = arith.constant 0 : index
    tpu.barrier barrier_id(%barrier3A_12)
    %mul3A_13 = arith.constant 640 : i32
    %mul3A_14 = arith.muli %arg1, %mul3A_13 : i32
    %mul3A_15 = arith.constant 640 : i32
    %mul3A_16 = arith.muli %arg1, %mul3A_15 : i32
    "tpu.region"() ({
      %run_scoped3A = tpu.sem_alloc : memref<!tpu.dma_semaphore, #tpu.memory_space<semaphore_mem>>
      %dma_start3A = arith.constant 0 : i32
      %dma_start3A_17 = tpu.memref_slice %arg6[%arg0, %mul3A_16, %dma_start3A] : memref<2x10240x64xf32, #tpu.memory_space<hbm>> -> memref<1x640x64xf32, #tpu.memory_space<hbm>>
      %dma_start3A_18 = tpu.memref_squeeze %dma_start3A_17 : memref<1x640x64xf32, #tpu.memory_space<hbm>> -> memref<640x64xf32, #tpu.memory_space<hbm>>
      %dma_start3A_19 = arith.constant 0 : i32
      %dma_start3A_20 = tpu.memref_slice %arg10[%mul3A_14, %dma_start3A_19] : memref<10240x64xf32, #tpu.memory_space<vmem_shared>> -> memref<640x64xf32, #tpu.memory_space<vmem_shared>>
      tpu.enqueue_dma source(%dma_start3A_20 : memref<640x64xf32, #tpu.memory_space<vmem_shared>>) target(%dma_start3A_18 : memref<640x64xf32, #tpu.memory_space<hbm>>) target_semaphore(%run_scoped3A : memref<!tpu.dma_semaphore, #tpu.memory_space<semaphore_mem>>)
      %dma_wait3A = arith.constant 0 : i32
      %dma_wait3A_21 = tpu.memref_slice %arg6[%arg0, %mul3A_16, %dma_wait3A] : memref<2x10240x64xf32, #tpu.memory_space<hbm>> -> memref<1x640x64xf32, #tpu.memory_space<hbm>>
      %dma_wait3A_22 = tpu.memref_squeeze %dma_wait3A_21 : memref<1x640x64xf32, #tpu.memory_space<hbm>> -> memref<640x64xf32, #tpu.memory_space<hbm>>
      %dma_wait3A_23 = arith.constant 0 : i32
      %dma_wait3A_24 = tpu.memref_slice %arg10[%mul3A_14, %dma_wait3A_23] : memref<10240x64xf32, #tpu.memory_space<vmem_shared>> -> memref<640x64xf32, #tpu.memory_space<vmem_shared>>
      tpu.wait_dma2 semaphore(%run_scoped3A : memref<!tpu.dma_semaphore, #tpu.memory_space<semaphore_mem>>) src(%dma_wait3A_24 : memref<640x64xf32, #tpu.memory_space<vmem_shared>>) dst(%dma_wait3A_22 : memref<640x64xf32, #tpu.memory_space<hbm>>)
      tpu.yield
    }) : () -> ()
    return
  }
}

module attributes {stable_mosaic.version = 14 : i64} {
  func.func @body(%arg0: i32, %arg1: memref<2x1024x8xf32, #tpu.memory_space<vmem>>, %arg2: memref<2x1024x128xf32, #tpu.memory_space<vmem>>, %arg3: memref<1024x128xf32, #tpu.memory_space<vmem>>, %arg4: memref<1x128xf32, #tpu.memory_space<vmem>>, %arg5: memref<128x128xf32, #tpu.memory_space<vmem>>, %arg6: memref<1024x128xf32, #tpu.memory_space<vmem>>) attributes {dimension_semantics = [#tpu.dimension_semantics<arbitrary>], iteration_bounds = array<i64: 10>, scalar_prefetch = 0 : i64, scratch_operands = 0 : i64, tpu.core_type = #tpu.core_type<tc>, window_params = [{transform_indices = @transform_0, window_bounds = array<i64: 2, 1024, 8>}, {transform_indices = @transform_1, window_bounds = array<i64: 2, 1024, 128>}, {transform_indices = @transform_2, window_bounds = array<i64: 1024, 128>}, {pipeline_mode = #tpu.pipeline_mode<synchronous>, transform_indices = @transform_3, window_bounds = array<i64: 1, 128>}, {pipeline_mode = #tpu.pipeline_mode<synchronous>, transform_indices = @transform_4, window_bounds = array<i64: 128, 128>}, {transform_indices = @transform_5, window_bounds = array<i64: 1024, 128>}]} {
    %get3A = arith.constant 0 : index
    %get3A_0 = arith.constant 0 : index
    %get3A_1 = arith.constant 0 : index
    %get3A_2 = vector.load %arg1[%get3A, %get3A_0, %get3A_1] : memref<2x1024x8xf32, #tpu.memory_space<vmem>>, vector<1x1024x1xf32>
    %get3A_3 = vector.shape_cast %get3A_2 : vector<1x1024x1xf32> to vector<1024xf32>
    %get3A_4 = arith.constant 1 : index
    %get3A_5 = arith.constant 0 : index
    %get3A_6 = arith.constant 0 : index
    %get3A_7 = vector.load %arg1[%get3A_4, %get3A_5, %get3A_6] : memref<2x1024x8xf32, #tpu.memory_space<vmem>>, vector<1x1024x1xf32>
    %get3A_8 = vector.shape_cast %get3A_7 : vector<1x1024x1xf32> to vector<1024xf32>
    %add3A = arith.addf %get3A_3, %get3A_8 : vector<1024xf32>
    %add3A_9 = arith.constant 1.000000e+00 : f32
    %add3A_10 = vector.broadcast %add3A_9 : f32 to vector<1024xf32>
    %add3A_11 = arith.addf %add3A, %add3A_10 : vector<1024xf32>
    %rsqrt3A = math.rsqrt %add3A_11 : vector<1024xf32>
    %broadcast_in_dim3A = vector.shape_cast %rsqrt3A : vector<1024xf32> to vector<1024x1xf32>
    %get3A_12 = arith.constant 0 : index
    %get3A_13 = arith.constant 0 : index
    %get3A_14 = arith.constant 0 : index
    %get3A_15 = vector.load %arg2[%get3A_12, %get3A_13, %get3A_14] : memref<2x1024x128xf32, #tpu.memory_space<vmem>>, vector<1x1024x128xf32>
    %get3A_16 = vector.shape_cast %get3A_15 : vector<1x1024x128xf32> to vector<1024x128xf32>
    %get3A_17 = arith.constant 1 : index
    %get3A_18 = arith.constant 0 : index
    %get3A_19 = arith.constant 0 : index
    %get3A_20 = vector.load %arg2[%get3A_17, %get3A_18, %get3A_19] : memref<2x1024x128xf32, #tpu.memory_space<vmem>>, vector<1x1024x128xf32>
    %get3A_21 = vector.shape_cast %get3A_20 : vector<1x1024x128xf32> to vector<1024x128xf32>
    %add3A_22 = arith.addf %get3A_16, %get3A_21 : vector<1024x128xf32>
    %get3A_23 = arith.constant 0 : index
    %get3A_24 = arith.constant 0 : index
    %get3A_25 = vector.load %arg3[%get3A_23, %get3A_24] : memref<1024x128xf32, #tpu.memory_space<vmem>>, vector<1024x128xf32>
    %add3A_26 = arith.addf %add3A_22, %get3A_25 : vector<1024x128xf32>
    %mul3A = vector.broadcast %broadcast_in_dim3A : vector<1024x1xf32> to vector<1024x128xf32>
    %mul3A_27 = arith.mulf %mul3A, %add3A_26 : vector<1024x128xf32>
    %get3A_28 = arith.constant 0 : index
    %get3A_29 = arith.constant 0 : index
    %get3A_30 = vector.load %arg4[%get3A_28, %get3A_29] : memref<1x128xf32, #tpu.memory_space<vmem>>, vector<1x128xf32>
    %add3A_31 = vector.broadcast %get3A_30 : vector<1x128xf32> to vector<1024x128xf32>
    %add3A_32 = arith.addf %mul3A_27, %add3A_31 : vector<1024x128xf32>
    %max3A = arith.constant 0.000000e+00 : f32
    %max3A_33 = vector.broadcast %max3A : f32 to vector<1024x128xf32>
    %max3A_34 = arith.maximumf %add3A_32, %max3A_33 : vector<1024x128xf32>
    %get3A_35 = arith.constant 0 : index
    %get3A_36 = arith.constant 0 : index
    %get3A_37 = vector.load %arg5[%get3A_35, %get3A_36] : memref<128x128xf32, #tpu.memory_space<vmem>>, vector<128x128xf32>
    %dot_general3A = arith.constant dense<0.000000e+00> : vector<1024x128xf32>
    %dot_general3A_38 = tpu.matmul %max3A_34, %get3A_37, %dot_general3A {dimension_numbers = #tpu.dot_dimension_numbers<[1], [0], [0], [1], [0, 0, 1, 1], [], []>, transpose_lhs_hint = false} : vector<1024x128xf32>, vector<128x128xf32>, vector<1024x128xf32> -> vector<1024x128xf32>
    %mul3A_39 = vector.broadcast %broadcast_in_dim3A : vector<1024x1xf32> to vector<1024x128xf32>
    %mul3A_40 = arith.mulf %mul3A_39, %dot_general3A_38 : vector<1024x128xf32>
    %swap3A = arith.constant 0 : index
    %swap3A_41 = arith.constant 0 : index
    %swap3A_42 = vector.load %arg6[%swap3A, %swap3A_41] : memref<1024x128xf32, #tpu.memory_space<vmem>>, vector<1024x128xf32>
    tpu.vector_store %arg6[%swap3A, %swap3A_41], %mul3A_40 {strides = array<i32>} : memref<1024x128xf32, #tpu.memory_space<vmem>>, vector<1024x128xf32>,
    return
  }
  func.func @transform_0(%arg0: i32) -> (i32, i32, i32) {
    %c0_i32 = arith.constant 0 : i32
    %c0_i32_0 = arith.constant 0 : i32
    %c0_i32_1 = arith.constant 0 : i32
    return %c0_i32, %arg0, %c0_i32_0 : i32, i32, i32
  }
  func.func @transform_1(%arg0: i32) -> (i32, i32, i32) {
    %c0_i32 = arith.constant 0 : i32
    %c0_i32_0 = arith.constant 0 : i32
    %c0_i32_1 = arith.constant 0 : i32
    return %c0_i32, %arg0, %c0_i32_0 : i32, i32, i32
  }
  func.func @transform_2(%arg0: i32) -> (i32, i32) {
    %c0_i32 = arith.constant 0 : i32
    %c0_i32_0 = arith.constant 0 : i32
    return %arg0, %c0_i32 : i32, i32
  }
  func.func @transform_3(%arg0: i32) -> (i32, i32) {
    %c0_i32 = arith.constant 0 : i32
    %c0_i32_0 = arith.constant 0 : i32
    %c0_i32_1 = arith.constant 0 : i32
    return %c0_i32, %c0_i32_0 : i32, i32
  }
  func.func @transform_4(%arg0: i32) -> (i32, i32) {
    %c0_i32 = arith.constant 0 : i32
    %c0_i32_0 = arith.constant 0 : i32
    %c0_i32_1 = arith.constant 0 : i32
    return %c0_i32, %c0_i32_0 : i32, i32
  }
  func.func @transform_5(%arg0: i32) -> (i32, i32) {
    %c0_i32 = arith.constant 0 : i32
    %c0_i32_0 = arith.constant 0 : i32
    return %arg0, %c0_i32 : i32, i32
  }
}

module attributes {stable_mosaic.version = 14 : i64} {
  func.func @body(%arg0: i32, %arg1: memref<2x1024x8xf32, #tpu.memory_space<vmem>>, %arg2: memref<1024x128xf32, #tpu.memory_space<vmem>>, %arg3: memref<128x128xf32, #tpu.memory_space<vmem>>, %arg4: memref<1024x128xf32, #tpu.memory_space<vmem>>) attributes {dimension_semantics = [#tpu.dimension_semantics<arbitrary>], iteration_bounds = array<i64: 10>, scalar_prefetch = 0 : i64, scratch_operands = 0 : i64, tpu.core_type = #tpu.core_type<tc>, window_params = [{transform_indices = @transform_0, window_bounds = array<i64: 2, 1024, 8>}, {transform_indices = @transform_1, window_bounds = array<i64: 1024, 128>}, {pipeline_mode = #tpu.pipeline_mode<synchronous>, transform_indices = @transform_2, window_bounds = array<i64: 128, 128>}, {transform_indices = @transform_3, window_bounds = array<i64: 1024, 128>}]} {
    %get3A = arith.constant 0 : index
    %get3A_0 = arith.constant 0 : index
    %get3A_1 = arith.constant 0 : index
    %get3A_2 = vector.load %arg1[%get3A, %get3A_0, %get3A_1] : memref<2x1024x8xf32, #tpu.memory_space<vmem>>, vector<1x1024x1xf32>
    %get3A_3 = vector.shape_cast %get3A_2 : vector<1x1024x1xf32> to vector<1024xf32>
    %get3A_4 = arith.constant 1 : index
    %get3A_5 = arith.constant 0 : index
    %get3A_6 = arith.constant 0 : index
    %get3A_7 = vector.load %arg1[%get3A_4, %get3A_5, %get3A_6] : memref<2x1024x8xf32, #tpu.memory_space<vmem>>, vector<1x1024x1xf32>
    %get3A_8 = vector.shape_cast %get3A_7 : vector<1x1024x1xf32> to vector<1024xf32>
    %add3A = arith.addf %get3A_3, %get3A_8 : vector<1024xf32>
    %add3A_9 = arith.constant 1.000000e+00 : f32
    %add3A_10 = vector.broadcast %add3A_9 : f32 to vector<1024xf32>
    %add3A_11 = arith.addf %add3A, %add3A_10 : vector<1024xf32>
    %rsqrt3A = math.rsqrt %add3A_11 : vector<1024xf32>
    %broadcast_in_dim3A = vector.shape_cast %rsqrt3A : vector<1024xf32> to vector<1024x1xf32>
    %get3A_12 = arith.constant 0 : index
    %get3A_13 = arith.constant 0 : index
    %get3A_14 = vector.load %arg2[%get3A_12, %get3A_13] : memref<1024x128xf32, #tpu.memory_space<vmem>>, vector<1024x128xf32>
    %get3A_15 = arith.constant 0 : index
    %get3A_16 = arith.constant 0 : index
    %get3A_17 = vector.load %arg3[%get3A_15, %get3A_16] : memref<128x128xf32, #tpu.memory_space<vmem>>, vector<128x128xf32>
    %dot_general3A = arith.constant dense<0.000000e+00> : vector<1024x128xf32>
    %dot_general3A_18 = tpu.matmul %get3A_14, %get3A_17, %dot_general3A {dimension_numbers = #tpu.dot_dimension_numbers<[1], [0], [0], [1], [0, 0, 1, 1], [], []>, transpose_lhs_hint = false} : vector<1024x128xf32>, vector<128x128xf32>, vector<1024x128xf32> -> vector<1024x128xf32>
    %mul3A = vector.broadcast %broadcast_in_dim3A : vector<1024x1xf32> to vector<1024x128xf32>
    %mul3A_19 = arith.mulf %mul3A, %dot_general3A_18 : vector<1024x128xf32>
    %swap3A = arith.constant 0 : index
    %swap3A_20 = arith.constant 0 : index
    %swap3A_21 = vector.load %arg4[%swap3A, %swap3A_20] : memref<1024x128xf32, #tpu.memory_space<vmem>>, vector<1024x128xf32>
    tpu.vector_store %arg4[%swap3A, %swap3A_20], %mul3A_19 {strides = array<i32>} : memref<1024x128xf32, #tpu.memory_space<vmem>>, vector<1024x128xf32>,
    return
  }
  func.func @transform_0(%arg0: i32) -> (i32, i32, i32) {
    %c0_i32 = arith.constant 0 : i32
    %c0_i32_0 = arith.constant 0 : i32
    %c0_i32_1 = arith.constant 0 : i32
    return %c0_i32, %arg0, %c0_i32_0 : i32, i32, i32
  }
  func.func @transform_1(%arg0: i32) -> (i32, i32) {
    %c0_i32 = arith.constant 0 : i32
    %c0_i32_0 = arith.constant 0 : i32
    return %arg0, %c0_i32 : i32, i32
  }
  func.func @transform_2(%arg0: i32) -> (i32, i32) {
    %c0_i32 = arith.constant 0 : i32
    %c0_i32_0 = arith.constant 0 : i32
    %c0_i32_1 = arith.constant 0 : i32
    return %c0_i32, %c0_i32_0 : i32, i32
  }
  func.func @transform_3(%arg0: i32) -> (i32, i32) {
    %c0_i32 = arith.constant 0 : i32
    %c0_i32_0 = arith.constant 0 : i32
    return %arg0, %c0_i32 : i32, i32
  }
}

module attributes {stable_mosaic.version = 14 : i64} {
  func.func @body(%arg0: i32, %arg1: memref<2x1024x8xf32, #tpu.memory_space<vmem>>, %arg2: memref<2x1024x128xf32, #tpu.memory_space<vmem>>, %arg3: memref<1024x128xf32, #tpu.memory_space<vmem>>, %arg4: memref<1x128xf32, #tpu.memory_space<vmem>>, %arg5: memref<128x64xf32, #tpu.memory_space<vmem>>, %arg6: memref<1024x64xf32, #tpu.memory_space<vmem>>) attributes {dimension_semantics = [#tpu.dimension_semantics<arbitrary>], iteration_bounds = array<i64: 10>, scalar_prefetch = 0 : i64, scratch_operands = 0 : i64, tpu.core_type = #tpu.core_type<tc>, window_params = [{transform_indices = @transform_0, window_bounds = array<i64: 2, 1024, 8>}, {transform_indices = @transform_1, window_bounds = array<i64: 2, 1024, 128>}, {transform_indices = @transform_2, window_bounds = array<i64: 1024, 128>}, {pipeline_mode = #tpu.pipeline_mode<synchronous>, transform_indices = @transform_3, window_bounds = array<i64: 1, 128>}, {pipeline_mode = #tpu.pipeline_mode<synchronous>, transform_indices = @transform_4, window_bounds = array<i64: 128, 64>}, {transform_indices = @transform_5, window_bounds = array<i64: 1024, 64>}]} {
    %get3A = arith.constant 0 : index
    %get3A_0 = arith.constant 0 : index
    %get3A_1 = arith.constant 0 : index
    %get3A_2 = vector.load %arg1[%get3A, %get3A_0, %get3A_1] : memref<2x1024x8xf32, #tpu.memory_space<vmem>>, vector<1x1024x1xf32>
    %get3A_3 = vector.shape_cast %get3A_2 : vector<1x1024x1xf32> to vector<1024xf32>
    %get3A_4 = arith.constant 1 : index
    %get3A_5 = arith.constant 0 : index
    %get3A_6 = arith.constant 0 : index
    %get3A_7 = vector.load %arg1[%get3A_4, %get3A_5, %get3A_6] : memref<2x1024x8xf32, #tpu.memory_space<vmem>>, vector<1x1024x1xf32>
    %get3A_8 = vector.shape_cast %get3A_7 : vector<1x1024x1xf32> to vector<1024xf32>
    %add3A = arith.addf %get3A_3, %get3A_8 : vector<1024xf32>
    %add3A_9 = arith.constant 1.000000e+00 : f32
    %add3A_10 = vector.broadcast %add3A_9 : f32 to vector<1024xf32>
    %add3A_11 = arith.addf %add3A, %add3A_10 : vector<1024xf32>
    %rsqrt3A = math.rsqrt %add3A_11 : vector<1024xf32>
    %broadcast_in_dim3A = vector.shape_cast %rsqrt3A : vector<1024xf32> to vector<1024x1xf32>
    %get3A_12 = arith.constant 0 : index
    %get3A_13 = arith.constant 0 : index
    %get3A_14 = arith.constant 0 : index
    %get3A_15 = vector.load %arg2[%get3A_12, %get3A_13, %get3A_14] : memref<2x1024x128xf32, #tpu.memory_space<vmem>>, vector<1x1024x128xf32>
    %get3A_16 = vector.shape_cast %get3A_15 : vector<1x1024x128xf32> to vector<1024x128xf32>
    %get3A_17 = arith.constant 1 : index
    %get3A_18 = arith.constant 0 : index
    %get3A_19 = arith.constant 0 : index
    %get3A_20 = vector.load %arg2[%get3A_17, %get3A_18, %get3A_19] : memref<2x1024x128xf32, #tpu.memory_space<vmem>>, vector<1x1024x128xf32>
    %get3A_21 = vector.shape_cast %get3A_20 : vector<1x1024x128xf32> to vector<1024x128xf32>
    %add3A_22 = arith.addf %get3A_16, %get3A_21 : vector<1024x128xf32>
    %get3A_23 = arith.constant 0 : index
    %get3A_24 = arith.constant 0 : index
    %get3A_25 = vector.load %arg3[%get3A_23, %get3A_24] : memref<1024x128xf32, #tpu.memory_space<vmem>>, vector<1024x128xf32>
    %add3A_26 = arith.addf %add3A_22, %get3A_25 : vector<1024x128xf32>
    %mul3A = vector.broadcast %broadcast_in_dim3A : vector<1024x1xf32> to vector<1024x128xf32>
    %mul3A_27 = arith.mulf %mul3A, %add3A_26 : vector<1024x128xf32>
    %get3A_28 = arith.constant 0 : index
    %get3A_29 = arith.constant 0 : index
    %get3A_30 = vector.load %arg4[%get3A_28, %get3A_29] : memref<1x128xf32, #tpu.memory_space<vmem>>, vector<1x128xf32>
    %add3A_31 = vector.broadcast %get3A_30 : vector<1x128xf32> to vector<1024x128xf32>
    %add3A_32 = arith.addf %mul3A_27, %add3A_31 : vector<1024x128xf32>
    %max3A = arith.constant 0.000000e+00 : f32
    %max3A_33 = vector.broadcast %max3A : f32 to vector<1024x128xf32>
    %max3A_34 = arith.maximumf %add3A_32, %max3A_33 : vector<1024x128xf32>
    %get3A_35 = arith.constant 0 : index
    %get3A_36 = arith.constant 0 : index
    %get3A_37 = vector.load %arg5[%get3A_35, %get3A_36] : memref<128x64xf32, #tpu.memory_space<vmem>>, vector<128x64xf32>
    %dot_general3A = arith.constant dense<0.000000e+00> : vector<1024x64xf32>
    %dot_general3A_38 = tpu.matmul %max3A_34, %get3A_37, %dot_general3A {dimension_numbers = #tpu.dot_dimension_numbers<[1], [0], [0], [1], [0, 0, 1, 1], [], []>, transpose_lhs_hint = false} : vector<1024x128xf32>, vector<128x64xf32>, vector<1024x64xf32> -> vector<1024x64xf32>
    %mul3A_39 = vector.broadcast %broadcast_in_dim3A : vector<1024x1xf32> to vector<1024x64xf32>
    %mul3A_40 = arith.mulf %mul3A_39, %dot_general3A_38 : vector<1024x64xf32>
    %swap3A = arith.constant 0 : index
    %swap3A_41 = arith.constant 0 : index
    %swap3A_42 = vector.load %arg6[%swap3A, %swap3A_41] : memref<1024x64xf32, #tpu.memory_space<vmem>>, vector<1024x64xf32>
    tpu.vector_store %arg6[%swap3A, %swap3A_41], %mul3A_40 {strides = array<i32>} : memref<1024x64xf32, #tpu.memory_space<vmem>>, vector<1024x64xf32>,
    return
  }
  func.func @transform_0(%arg0: i32) -> (i32, i32, i32) {
    %c0_i32 = arith.constant 0 : i32
    %c0_i32_0 = arith.constant 0 : i32
    %c0_i32_1 = arith.constant 0 : i32
    return %c0_i32, %arg0, %c0_i32_0 : i32, i32, i32
  }
  func.func @transform_1(%arg0: i32) -> (i32, i32, i32) {
    %c0_i32 = arith.constant 0 : i32
    %c0_i32_0 = arith.constant 0 : i32
    %c0_i32_1 = arith.constant 0 : i32
    return %c0_i32, %arg0, %c0_i32_0 : i32, i32, i32
  }
  func.func @transform_2(%arg0: i32) -> (i32, i32) {
    %c0_i32 = arith.constant 0 : i32
    %c0_i32_0 = arith.constant 0 : i32
    return %arg0, %c0_i32 : i32, i32
  }
  func.func @transform_3(%arg0: i32) -> (i32, i32) {
    %c0_i32 = arith.constant 0 : i32
    %c0_i32_0 = arith.constant 0 : i32
    %c0_i32_1 = arith.constant 0 : i32
    return %c0_i32, %c0_i32_0 : i32, i32
  }
  func.func @transform_4(%arg0: i32) -> (i32, i32) {
    %c0_i32 = arith.constant 0 : i32
    %c0_i32_0 = arith.constant 0 : i32
    %c0_i32_1 = arith.constant 0 : i32
    return %c0_i32, %c0_i32_0 : i32, i32
  }
  func.func @transform_5(%arg0: i32) -> (i32, i32) {
    %c0_i32 = arith.constant 0 : i32
    %c0_i32_0 = arith.constant 0 : i32
    return %arg0, %c0_i32 : i32, i32
  }
}

module attributes {stable_mosaic.version = 14 : i64} {
  func.func @body(%arg0: i32, %arg1: memref<2x1024x8xf32, #tpu.memory_space<vmem>>, %arg2: memref<2x1024x64xf32, #tpu.memory_space<vmem>>, %arg3: memref<1024x64xf32, #tpu.memory_space<vmem>>, %arg4: memref<1x64xf32, #tpu.memory_space<vmem>>, %arg5: memref<1024x64xf32, #tpu.memory_space<vmem>>) attributes {dimension_semantics = [#tpu.dimension_semantics<arbitrary>], iteration_bounds = array<i64: 10>, scalar_prefetch = 0 : i64, scratch_operands = 0 : i64, tpu.core_type = #tpu.core_type<tc>, window_params = [{transform_indices = @transform_0, window_bounds = array<i64: 2, 1024, 8>}, {transform_indices = @transform_1, window_bounds = array<i64: 2, 1024, 64>}, {transform_indices = @transform_2, window_bounds = array<i64: 1024, 64>}, {pipeline_mode = #tpu.pipeline_mode<synchronous>, transform_indices = @transform_3, window_bounds = array<i64: 1, 64>}, {transform_indices = @transform_4, window_bounds = array<i64: 1024, 64>}]} {
    %get3A = arith.constant 0 : index
    %get3A_0 = arith.constant 0 : index
    %get3A_1 = arith.constant 0 : index
    %get3A_2 = vector.load %arg1[%get3A, %get3A_0, %get3A_1] : memref<2x1024x8xf32, #tpu.memory_space<vmem>>, vector<1x1024x1xf32>
    %get3A_3 = vector.shape_cast %get3A_2 : vector<1x1024x1xf32> to vector<1024xf32>
    %get3A_4 = arith.constant 1 : index
    %get3A_5 = arith.constant 0 : index
    %get3A_6 = arith.constant 0 : index
    %get3A_7 = vector.load %arg1[%get3A_4, %get3A_5, %get3A_6] : memref<2x1024x8xf32, #tpu.memory_space<vmem>>, vector<1x1024x1xf32>
    %get3A_8 = vector.shape_cast %get3A_7 : vector<1x1024x1xf32> to vector<1024xf32>
    %add3A = arith.addf %get3A_3, %get3A_8 : vector<1024xf32>
    %add3A_9 = arith.constant 1.000000e+00 : f32
    %add3A_10 = vector.broadcast %add3A_9 : f32 to vector<1024xf32>
    %add3A_11 = arith.addf %add3A, %add3A_10 : vector<1024xf32>
    %rsqrt3A = math.rsqrt %add3A_11 : vector<1024xf32>
    %broadcast_in_dim3A = vector.shape_cast %rsqrt3A : vector<1024xf32> to vector<1024x1xf32>
    %get3A_12 = arith.constant 0 : index
    %get3A_13 = arith.constant 0 : index
    %get3A_14 = arith.constant 0 : index
    %get3A_15 = vector.load %arg2[%get3A_12, %get3A_13, %get3A_14] : memref<2x1024x64xf32, #tpu.memory_space<vmem>>, vector<1x1024x64xf32>
    %get3A_16 = vector.shape_cast %get3A_15 : vector<1x1024x64xf32> to vector<1024x64xf32>
    %get3A_17 = arith.constant 1 : index
    %get3A_18 = arith.constant 0 : index
    %get3A_19 = arith.constant 0 : index
    %get3A_20 = vector.load %arg2[%get3A_17, %get3A_18, %get3A_19] : memref<2x1024x64xf32, #tpu.memory_space<vmem>>, vector<1x1024x64xf32>
    %get3A_21 = vector.shape_cast %get3A_20 : vector<1x1024x64xf32> to vector<1024x64xf32>
    %add3A_22 = arith.addf %get3A_16, %get3A_21 : vector<1024x64xf32>
    %get3A_23 = arith.constant 0 : index
    %get3A_24 = arith.constant 0 : index
    %get3A_25 = vector.load %arg3[%get3A_23, %get3A_24] : memref<1024x64xf32, #tpu.memory_space<vmem>>, vector<1024x64xf32>
    %add3A_26 = arith.addf %add3A_22, %get3A_25 : vector<1024x64xf32>
    %mul3A = vector.broadcast %broadcast_in_dim3A : vector<1024x1xf32> to vector<1024x64xf32>
    %mul3A_27 = arith.mulf %mul3A, %add3A_26 : vector<1024x64xf32>
    %get3A_28 = arith.constant 0 : index
    %get3A_29 = arith.constant 0 : index
    %get3A_30 = vector.load %arg4[%get3A_28, %get3A_29] : memref<1x64xf32, #tpu.memory_space<vmem>>, vector<1x64xf32>
    %add3A_31 = vector.broadcast %get3A_30 : vector<1x64xf32> to vector<1024x64xf32>
    %add3A_32 = arith.addf %mul3A_27, %add3A_31 : vector<1024x64xf32>
    %swap3A = arith.constant 0 : index
    %swap3A_33 = arith.constant 0 : index
    %swap3A_34 = vector.load %arg5[%swap3A, %swap3A_33] : memref<1024x64xf32, #tpu.memory_space<vmem>>, vector<1024x64xf32>
    tpu.vector_store %arg5[%swap3A, %swap3A_33], %add3A_32 {strides = array<i32>} : memref<1024x64xf32, #tpu.memory_space<vmem>>, vector<1024x64xf32>,
    return
  }
  func.func @transform_0(%arg0: i32) -> (i32, i32, i32) {
    %c0_i32 = arith.constant 0 : i32
    %c0_i32_0 = arith.constant 0 : i32
    %c0_i32_1 = arith.constant 0 : i32
    return %c0_i32, %arg0, %c0_i32_0 : i32, i32, i32
  }
  func.func @transform_1(%arg0: i32) -> (i32, i32, i32) {
    %c0_i32 = arith.constant 0 : i32
    %c0_i32_0 = arith.constant 0 : i32
    %c0_i32_1 = arith.constant 0 : i32
    return %c0_i32, %arg0, %c0_i32_0 : i32, i32, i32
  }
  func.func @transform_2(%arg0: i32) -> (i32, i32) {
    %c0_i32 = arith.constant 0 : i32
    %c0_i32_0 = arith.constant 0 : i32
    return %arg0, %c0_i32 : i32, i32
  }
  func.func @transform_3(%arg0: i32) -> (i32, i32) {
    %c0_i32 = arith.constant 0 : i32
    %c0_i32_0 = arith.constant 0 : i32
    %c0_i32_1 = arith.constant 0 : i32
    return %c0_i32, %c0_i32_0 : i32, i32
  }
  func.func @transform_4(%arg0: i32) -> (i32, i32) {
    %c0_i32 = arith.constant 0 : i32
    %c0_i32_0 = arith.constant 0 : i32
    return %arg0, %c0_i32 : i32, i32
  }
}

</mosaic_0001>

<sc_bundles>
// kernel: kernel.10.cloned.1.call-start
scs
__scs_entry_jumppad:
0x0: {  	(pc) =	sbr.rel $0x88, $3  }
0x1: {  	(tag) =	ssettag $0x0;
	lr =	simm.s32 $0x1  }
0x2: {  	[smem:$0x3F99] =	sst lr;
	_ =	strace $0xD0000000  }
0x3: {  	_ = 	snop  }
0x4: {  	_ = 	snop  }
0x5: {  	_ = 	snop  }
0x6: {  	_ = 	snop  }
0x7: {  	_ = 	snop  }
__scs_overlays_trampoline_lowered:
0x8: {  	[smem:$0x3FA8] =	sst s0  }
0x9: {  	[smem:$0x3FA9] =	sst s1  }
0xa: {  	[smem:$0x3FAA] =	sst s2  }
0xb: {  	[smem:$0x3FAB] =	sst s3  }
0xc: {  	[smem:$0x3FAC] =	sst s4  }
0xd: {  	[smem:$0x3FAD] =	sst s5  }
0xe: {  	[smem:$0x3FAE] =	sst s6  }
0xf: {  	[smem:$0x3FAF] =	sst s7  }
0x10: {  	[smem:$0x3FB0] =	sst s8  }
0x11: {  	[smem:$0x3FB1] =	sst s9;
	s0 =	simm.s32 @!p0 $0x0  }
0x12: {  	s1 =	sld [smem:$0x3F97];
	s0 =	simm.s32 @p0 $0x1  }
0x13: {  	[smem:$0x3FB2] =	sst s0;
	s0 =	simm.s32 @!p1 $0x0  }
0x14: {  	s2 =	sld [smem:$0x3F96];
	s0 =	simm.s32 @p1 $0x1  }
0x15: {  	[smem:$0x3FB3] =	sst s0;
	s0 =	simm.s32 @!p2 $0x0  }
0x16: {  	s3 =	sld [smem:$0x3FDB];
	s0 =	simm.s32 @p2 $0x1  }
0x17: {  	s4 =	simm.s32 $0x1BF5;
	[smem:$0x3FB5] =	sst s0  }
0x18: {  	s0 =	sld [smem:$0x3F98];
	_ =	swait.ge [sflag:s4], $0x0  }
0x19: {  	s7 =	sld [smem:$0x3F99]  }
0x1a: {  	s8 =	sadd.s32 $0xFFFFE003, lr  }
0x1b: {  	s9 =	sadd.s32 $0xFFFFFEF7, lr;
	s5 =	simm.s32 $0xFFFFFFFF;
	p2 =	slt.u32 s8, $0xFFFFF086  }
0x1c: {  	p1 =	slt.u32 s9, $0xF7A;
	s5 =	simm.s32 @!p2 $0x0  }
0x1d: {  	s5 =	simm.s32 @p1 $0x1;
	p0 =	seq.s32 s7, s2  }
0x1e: {  	s7 =	smul.u32 @!p0 $0xF7A, s2;
	p2 =	seq.s32 @!p0 s5, $0x0  }
0x1f: {  	s9 =	smul.u32 $0xF7A, s1;
	s8 =	simm.s32 @!p0 $0x1BF5;
	p2 =	por !p2, p0  }
0x20: {  	[sflag:s8] =	ssyncset.s32 @!p0 $0xFFFFF086;
	s6 =	sadd.s32 @!p0 s3, s7;
	s7 =	simm.s32 @!p0 $0x108  }
0x21: {  	s3 =	sadd.s32 s3, s9;
	s6 =	sadd.s32 @!p0 $0x88, s6;
	s7 =	simm.s32 @p2 $0x1082  }
0x22: {  	[simem:s7], [sflag:s8] =	dma.local @!p0 [hbm:s6], $0xF7A  }
0x23: {  	s9 =	sor.u32 $0xD0000000, s2;
	s6 =	simm.s32 $0x108;
	_ =	swait.ge @!p0 [sflag:s8], $0x0  }
0x24: {  	s3 =	sadd.s32 $0x88, s3;
	s6 =	simm.s32 @!p1 $0x1082;
	[sflag:s4] =	ssyncset.s32 $0xFFFFF086  }
0x25: {  	[simem:s6], [sflag:s4] =	dma.local [hbm:s3], $0xF7A  }
0x26: {  	[smem:$0x3F99] =	sst s1;
	(tag) =	ssettag s2;
	_ =	strace s9  }
0x27: {  	s1 =	sld [smem:$0x3FA9]  }
0x28: {  	s2 =	sld [smem:$0x3FAA]  }
0x29: {  	s4 =	sld [smem:$0x3FAC]  }
0x2a: {  	p0 =	seq.s32 s5, $0x0;
	s5 =	sld [smem:$0x3FAD]  }
0x2b: {  	s6 =	sld [smem:$0x3FAE]  }
0x2c: {  	s7 =	sld [smem:$0x3FAF]  }
0x2d: {  	s3 =	simm.s32 $0x108;
	s8 =	sld [smem:$0x3FB0]  }
0x2e: {  	s3 =	simm.s32 @!p0 $0x1082;
	s9 =	sld [smem:$0x3FB1]  }
0x2f: {  	lr =	sadd.s32 s0, s3;
	s0 =	sld [smem:$0x3FA8]  }
0x30: {  	s3 =	sld [smem:$0x3FAB]  }
0x31: {  	[smem:$0x3FB4] =	sst s10  }
0x32: {  	s10 =	sld [smem:$0x3FB2];
	_ =	sdelay $0x3  }
0x33: {  	p0 =	seq.s32 s10, $0x1;
	s10 =	sld [smem:$0x3FB4];
	_ =	sdelay $0x3  }
0x34: {  	[smem:$0x3FB4] =	sst s10  }
0x35: {  	s10 =	sld [smem:$0x3FB3];
	_ =	sdelay $0x3  }
0x36: {  	p1 =	seq.s32 s10, $0x1;
	s10 =	sld [smem:$0x3FB4];
	_ =	sdelay $0x3  }
0x37: {  	[smem:$0x3FB4] =	sst s10  }
0x38: {  	s10 =	sld [smem:$0x3FB5]  }
0x39: {  	_ = 	snop;
	(pc) =	sbr.ind lr, $3  }
0x3a: {  	_ = 	snop  }
0x3b: {  	_ = 	snop  }
0x3c: {  	p2 =	seq.s32 s10, $0x1;
	s10 =	sld [smem:$0x3FB4]  }
0x3d: {  	_ =	shalt  }
0x3e: {  	_ =	shalt  }
0x3f: {  	_ =	shalt  }
0x40: {  	_ =	shalt  }
0x41: {  	_ =	shalt  }
0x42: {  	_ =	shalt  }
0x43: {  	_ =	shalt  }
0x44: {  	_ =	shalt  }
0x45: {  	_ =	shalt  }
0x46: {  	_ =	shalt  }
0x47: {  	_ =	shalt  }
0x48: {  	_ =	shalt  }
0x49: {  	_ =	shalt  }
0x4a: {  	_ =	shalt  }
0x4b: {  	_ =	shalt  }
0x4c: {  	_ =	shalt  }
0x4d: {  	_ =	shalt  }
0x4e: {  	_ =	shalt  }
0x4f: {  	_ =	shalt  }
0x50: {  	_ =	shalt  }
0x51: {  	_ =	shalt  }
0x52: {  	_ =	shalt  }
0x53: {  	_ =	shalt  }
0x54: {  	_ =	shalt  }
0x55: {  	_ =	shalt  }
0x56: {  	_ =	shalt  }
0x57: {  	_ =	shalt  }
0x58: {  	_ =	shalt  }
0x59: {  	_ =	shalt  }
0x5a: {  	_ =	shalt  }
0x5b: {  	_ =	shalt  }
0x5c: {  	_ =	shalt  }
0x5d: {  	_ =	shalt  }
0x5e: {  	_ =	shalt  }
0x5f: {  	_ =	shalt  }
0x60: {  	_ =	shalt  }
0x61: {  	_ =	shalt  }
0x62: {  	_ =	shalt  }
0x63: {  	_ =	shalt  }
0x64: {  	_ =	shalt  }
0x65: {  	_ =	shalt  }
0x66: {  	_ =	shalt  }
0x67: {  	_ =	shalt  }
0x68: {  	_ =	shalt  }
0x69: {  	_ =	shalt  }
0x6a: {  	_ =	shalt  }
0x6b: {  	_ =	shalt  }
0x6c: {  	_ =	shalt  }
0x6d: {  	_ =	shalt  }
0x6e: {  	_ =	shalt  }
0x6f: {  	_ =	shalt  }
0x70: {  	_ =	shalt  }
0x71: {  	_ =	shalt  }
0x72: {  	_ =	shalt  }
0x73: {  	_ =	shalt  }
0x74: {  	_ =	shalt  }
0x75: {  	_ =	shalt  }
0x76: {  	_ =	shalt  }
0x77: {  	_ =	shalt  }
0x78: {  	_ =	shalt  }
0x79: {  	_ =	shalt  }
0x7a: {  	_ =	shalt  }
0x7b: {  	_ =	shalt  }
0x7c: {  	_ =	shalt  }
0x7d: {  	_ =	shalt  }
0x7e: {  	_ =	shalt  }
0x7f: {  	_ =	shalt  }
0x80: {  	_ =	shalt  }
0x81: {  	_ =	shalt  }
0x82: {  	_ =	shalt  }
0x83: {  	_ =	shalt  }
0x84: {  	_ =	shalt  }
0x85: {  	_ =	shalt  }
0x86: {  	_ =	shalt  }
0x87: {  	_ =	shalt  }
.Lfunc_end0:
.L_simem_size_0:
called_computation_lowered:
.L_overlay_start_0:
0x88: {  	s2 =	sld [smem:$0x3FD9]  }
0x89: {  	s3 =	sld [smem:$0x3FFE];
	_ =	sdelay $0x1  }
0x8a: {  	s1 =	srdreg.scid  }
0x8b: {  	s0 =	sand.u32 $0x1, s1  }
0x8c: {  	s17 =	sshll.u32 s0, $0xA;
	s2 =	sadd.s32 s3, s2  }
0x8d: {  	s2 =	sadd.s32 s2, s17  }
0x8e: {  	[smem:$0x3FC0] =	sst s2  }
0x8f: {  	_ = 	snop  }
0x90: {  	s2 =	sld [smem:$0x3FD0];
	(tm) =	ssettm $0x1  }
0x91: {  	s18 =	sld [smem:$0x3FFB];
	_ =	sdelay $0x3  }
0x92: {  	_ =	strace s18  }
0x93: {  	s3 =	sld [smem:$0x3FFC];
	_ =	sdelay $0x3  }
0x94: {  	_ =	strace s3  }
0x95: {  	s3 =	sld [smem:$0x3FFD];
	_ =	sdelay $0x3  }
0x96: {  	_ =	strace s3  }
0x97: {  	_ =	strace $0x8FFFFFFF  }
0x98: {  	s19 =	sld [smem:$0x3FDB];
	_ =	sdelay $0x1  }
0x99: {  	s4 =	simm.s32 $_scs_section_size  }
0x9a: {  	s5 =	simm.s32 $_size__tile_overlayer_lowered;
	s6 =	simm.s32 $_tile_overlayer_lowered  }
0x9b: {  	s22 =	simm.s32 $0x1BFF;
	s21 =	sshll.u32 s6, $0x1;
	s3 =	sadd.s32 s4, s19  }
0x9c: {  	s7 =	simm.s32 $0x0;
	s20 =	sshll.u32 s5, $0x1;
	s5 =	sadd.s32 s21, s3  }
0x9d: {  	[timem:s7], [sflag:s22] =	dma.local [hbm:s5], s20  }
0x9e: {  	_ =	swait.ge [sflag:s22], s20  }
0x9f: {  	s4 =	ssub.s32 $0x0, s20;
	[sflag:s22] =	ssyncset.done $0x0  }
0xa0: {  	[sflag:s22] =	ssyncadd.s32 s4;
	_ =	sdelay $0x1  }
0xa1: {  	s23 =	simm.s32 $0x1B8B  }
0xa2: {  	_ =	swait.ge [sflag:s23], $0x1  }
0xa3: {  	[sflag:s23] =	ssyncset.done $0x0  }
0xa4: {  	s25 =	simm.s32 $0x1B8E;
	s24 =	sld [smem:$0x3FFE];
	[sflag:s23] =	ssyncadd.s32 $0xFFFFFFFF  }
0xa5: {  	s26 =	simm.s32 $execute0_lowered;
	[smem:$0x3FD2] =	sst s25  }
0xa6: {  	s5 =	sshll.u32 s26, $0x1;
	_ =	strace $0x80000046;
	[dreg:$0x1] =	wrdreg $0xFFFFFFFF  }
0xa7: {  	s28 =	simm.s32 $_size_execute0_lowered;
	s3 =	sadd.s32 s3, s5;
	[dreg:$0x0] =	wrdreg $0x0  }
0xa8: {  	s5 =	sshll.u32 s28, $0x1;
	[dreg:$0x2] =	wrdreg s3  }
0xa9: {  	[dreg:$0x3] =	wrdreg s5  }
0xaa: {  	[dreg:$0x4] =	wrdreg $0xC0  }
0xab: {  	_ =	task [dreg:s7], $0x5FFFF  }
0xac: {  	[dreg:$0x1] =	wrdreg $0xFFFFFFFF  }
0xad: {  	[dreg:$0x0] =	wrdreg $0x60  }
0xae: {  	[dreg:$0x2] =	wrdreg s2  }
0xaf: {  	[dreg:$0x3] =	wrdreg s24  }
0xb0: {  	[dreg:$0x4] =	wrdreg $0x2B800  }
0xb1: {  	[dreg:$0x5] =	wrdreg $0x9  }
0xb2: {  	_ =	task.clear_ibuf [dreg:s7], $0x6FFFF;
	_ =	strace $0x90000046  }
0xb3: {  	s29 =	simm.s32 $0x9;
	_ =	strace $0x80000048  }
0xb4: {  	_ =	swait.ge [sflag:s29], $0x1  }
0xb5: {  	[sflag:s29] =	ssyncadd.s32 $0xFFFFFFFF  }
0xb6: {  	_ =	strace $0x90000048  }
0xb7: {  	_ =	sfence  }
0xb8: {  	s30 =	sld [smem:$0x0];
	_ =	sdelay $0x2  }
0xb9: {  	s31 =	sshll.u32 s1, $0xD;
	s1 =	sshrl.u32 s1, $0x2  }
0xba: {  	s3 =	sand.u32 $0x4000, s31;
	s1 =	sadd.s32 s1, s30  }
0xbb: {  	s0 =	sor.u32 s3, s0;
	s1 =	sshll.u32 s1, $0x11  }
0xbc: {  	s0 =	sor.u32 s1, s0  }
0xbd: {  	s0 =	sadd.s32 $0x8F2B, s0  }
0xbe: {  	[sflag:s0] =	ssyncadd.remote.s32 $0x1  }
0xbf: {  	_ =	sfence.sel $0xFFFF  }
0xc0: {  	[dreg:$0x0] =	wrdreg $0xFFFFFFFF;
	(pc) =	sbr.abs _section_cstart, $3  }
0xc1: {  	[dreg:$0x1] =	wrdreg $0xFFFFFFFF  }
0xc2: {  	_ =	task.clear_ibuf [dreg:s7], $0x2FFFF;
	_ =	strace $0x9FFFFFFF  }
0xc3: {  	(tm) =	ssettm $0x7FFFFFFF  }
tec
execute0_lowered:
.L_overlay_start_1:
0x0: {  	(tag) =	ssettag $0x1  }
0x1: {  	s7 =	rddreg [dreg:$0x0]  }
0x2: {  	s6 =	rddreg [dreg:$0x1]  }
0x3: {  	s1 =	rddreg [dreg:$0x2]  }
0x4: {  	s0 =	rddreg [dreg:$0x3]  }
0x5: {  	s2 =	simm.s32 $0x0;
	s3 =	srdreg.scid;
	s25 =	simm.s32 $0x80  }
0x6: {  	s26 =	simm.s32 $0x0;
	[smem:$0x7FF] =	sst s2;
	s4 =	sadd.s32 $0x3200, s6  }
0x7: {  	s8 =	sand.u32 $0x1, s3;
	s5 =	sadd.s32 $0x3000, s6;
	s3 =	stileid.u32  }
0x8: {  	s22 =	sadd.s32 $0x3400, s6;
	_ =	strace $0x80000047;
	s11 =	smul.u32 $0x5000, s3  }
0x9: {  	s9 =	sshll.u32 s8, $0x4;
	s10 =	ssub.s32 $0x2, s8;
	s18 =	smul.u32 $0x1400, s3  }
0xa: {  	s19 =	smul.u32 $0x14000, s8;
	s9 =	sor.u32 s3, s9;
	s28 =	sshrl.u32 s10, $0x1  }
0xb: {  	s9 =	smul.u32 $0x4F0, s9;
	s10 =	ssub.s32 s10, s28;
	s29 =	sshrl.u32 s11, $0x2  }
0xc: {  	s8 =	sadd.s32 s18, s1;
	s13 =	sadd.s32 s19, s18;
	s15 =	sadd.s32 $0x400, s18  }
0xd: {  	s20 =	sadd.s32 $0x800, s18;
	s21 =	sadd.s32 $0xC00, s18;
	s24 =	sadd.s32 $0x1000, s18  }
0xe: {  	s6 =	sadd.s32 s29, s1;
	s14 =	sshrl.u32 s13, $0x3;
	s16 =	sadd.s32 s19, s15  }
0xf: {  	s15 =	sadd.s32 s15, s1;
	s17 =	sadd.s32 s20, s1;
	s20 =	sadd.s32 s19, s20  }
0x10: {  	s23 =	sadd.s32 s19, s21;
	s31 =	sadd.s32 s19, s24;
	s19 =	sadd.s32 s21, s1  }
0x11: {  	s21 =	sadd.s32 s24, s1;
	s24 =	simm.s32 $0x1;
	s7 =	sadd.s32 s7, s9  }
0x12: {  	s9 =	smax.u32 s10, $0x1;
	s10 =	sadd.s32 $0x400, s6;
	s11 =	sadd.s32 $0x800, s6  }
0x13: {  	s12 =	sadd.s32 $0xC00, s6;
	s13 =	sadd.s32 $0x1000, s6;
	s14 =	sadd.s32 s22, s14  }
0x14: {  	s16 =	sshrl.u32 s16, $0x3;
	s20 =	sshrl.u32 s20, $0x3;
	s30 =	sshrl.u32 s23, $0x3  }
0x15: {  	s23 =	sshrl.u32 s31, $0x3;
	s16 =	sadd.s32 s22, s16;
	s18 =	sadd.s32 s22, s20  }
0x16: {  	s20 =	sadd.s32 s22, s30;
	s22 =	sadd.s32 s22, s23;
	s23 =	simm.s32 $0x2780  }
.LBB2_1:
0x17: {  	[tilespmem:s23], [sflag:$0x1] =	stream.linear.gather [hbm4b:s5+s2], $0x400, $0x38;
	[tilespmem:$0x3F80] =	vst v63  }
0x18: {  	_ =	swait.ge [sflag:s24], $0x400  }
0x19: {  	[sflag:s24] =	ssyncset.done $0x0  }
0x1a: {  	[sflag:s24] =	ssyncadd.s32 $0xFFFFFC00  }
0x1b: {  	[spmem:s6] =	stream.linear.scatter [tilespmem:s23], [sflag:$0x1], $0x400, $0x38;
	[tilespmem:$0x3F80] =	vst v63  }
0x1c: {  	_ =	swait.ge [sflag:s24], $0x400  }
0x1d: {  	[sflag:s24] =	ssyncset.done $0x0  }
0x1e: {  	[sflag:s24] =	ssyncadd.s32 $0xFFFFFC00  }
0x1f: {  	[spmem:s10] =	stream.linear.scatter [tilespmem:s23], [sflag:$0x1], $0x400, $0x38;
	[tilespmem:$0x3F80] =	vst v63  }
0x20: {  	_ =	swait.ge [sflag:s24], $0x400  }
0x21: {  	[sflag:s24] =	ssyncset.done $0x0  }
0x22: {  	[sflag:s24] =	ssyncadd.s32 $0xFFFFFC00  }
0x23: {  	[spmem:s11] =	stream.linear.scatter [tilespmem:s23], [sflag:$0x1], $0x400, $0x38;
	[tilespmem:$0x3F80] =	vst v63  }
0x24: {  	_ =	swait.ge [sflag:s24], $0x400  }
0x25: {  	[sflag:s24] =	ssyncset.done $0x0  }
0x26: {  	[sflag:s24] =	ssyncadd.s32 $0xFFFFFC00  }
0x27: {  	[spmem:s12] =	stream.linear.scatter [tilespmem:s23], [sflag:$0x1], $0x400, $0x38;
	[tilespmem:$0x3F80] =	vst v63  }
0x28: {  	_ =	swait.ge [sflag:s24], $0x400  }
0x29: {  	[sflag:s24] =	ssyncset.done $0x0  }
0x2a: {  	[sflag:s24] =	ssyncadd.s32 $0xFFFFFC00  }
0x2b: {  	[spmem:s13] =	stream.linear.scatter [tilespmem:s23], [sflag:$0x1], $0x400, $0x38;
	[tilespmem:$0x3F80] =	vst v63  }
0x2c: {  	_ =	swait.ge [sflag:s24], $0x400  }
0x2d: {  	[sflag:s24] =	ssyncset.done $0x0  }
0x2e: {  	[sflag:s24] =	ssyncadd.s32 $0xFFFFFC00  }
0x2f: {  	[bflag:$0x0] =	sbarrier.arrive $0xFFFF  }
0x30: {  	[tilespmem:s2], [sflag:$0x1] =	stream.linear.gather [hbm4b:s7+s2], $0x2780, $0x38;
	[tilespmem:$0x3F80] =	vst v63  }
0x31: {  	_ =	swait.ge [sflag:s24], $0x2780  }
0x32: {  	[sflag:s24] =	ssyncset.done $0x0  }
0x33: {  	[sflag:s24] =	ssyncadd.s32 $0xFFFFD880  }
0x34: {  	[tilespmem:s23], [sflag:$0x1] =	stream.linear.gather [hbm4b:s4+s2], $0x400, $0x38;
	[tilespmem:$0x3F80] =	vst v63  }
0x35: {  	_ =	swait.ge [sflag:s24], $0x400  }
0x36: {  	[sflag:s24] =	ssyncset.done $0x0  }
0x37: {  	s28 =	simm.s32 $0x0;
	[sflag:s24] =	ssyncadd.s32 $0xFFFFFC00  }
0x38: {  	[spmem:s1] =	stream.indirect.scatter.add.f32 [tilespmem:s23], [sflag:$0x1], $0x8, s28, s25, $0xb8;
	[tilespmem:$0x3F80] =	vst v63  }
0x39: {  	_ =	swait.ge [sflag:s24], $0x400  }
0x3a: {  	s28 =	simm.s32 $0x200;
	[sflag:s24] =	ssyncset.done $0x0  }
.LBB2_2:
0x3b: {  	s29 =	sshra.s32 s28, $0x2;
	[sflag:s24] =	ssyncadd.s32 $0xFFFFFC00;
	p0 =	sne.s32 s28, $0x9C00  }
0x3c: {  	[spmem:s1] =	stream.indirect.scatter.add.f32 [tilespmem:s23], [sflag:$0x1], $0x8, s29, s25, $0xb8;
	[tilespmem:$0x3F80] =	vst v63  }
.Ltmp0:
0x3d: {  	_ = 	snop;
	(pc) =	sbr.rel @p0 .LBB2_2-.Ltmp0, $4  }
0x3e: {  	_ = 	snop  }
0x3f: {  	s28 =	sadd.s32 $0x200, s28  }
0x40: {  	_ =	swait.ge [sflag:s24], $0x400  }
0x41: {  	[sflag:s24] =	ssyncset.done $0x0  }
0x42: {  	[sflag:s24] =	ssyncadd.s32 $0xFFFFFC00  }
0x43: {  	[bflag:$0x0] =	sbarrier.arrive $0xFFFF  }
0x44: {  	[tilespmem:s23], [sflag:$0x1] =	stream.linear.gather [spmem:s8], $0x400, $0x38;
	[tilespmem:$0x3F80] =	vst v63  }
0x45: {  	_ =	swait.ge [sflag:s24], $0x400  }
0x46: {  	[sflag:s24] =	ssyncset.done $0x0  }
0x47: {  	[sflag:s24] =	ssyncadd.s32 $0xFFFFFC00  }
0x48: {  	[hbm4b:s14+s2] =	stream.linear.scatter [tilespmem:s23], [sflag:$0x1], $0x400, $0x38;
	[tilespmem:$0x3F80] =	vst v63  }
0x49: {  	_ =	swait.ge [sflag:s24], $0x400  }
0x4a: {  	[sflag:s24] =	ssyncset.done $0x0  }
0x4b: {  	[sflag:s24] =	ssyncadd.s32 $0xFFFFFC00  }
0x4c: {  	[tilespmem:s23], [sflag:$0x1] =	stream.linear.gather [spmem:s15], $0x400, $0x38;
	[tilespmem:$0x3F80] =	vst v63  }
0x4d: {  	_ =	swait.ge [sflag:s24], $0x400  }
0x4e: {  	[sflag:s24] =	ssyncset.done $0x0  }
0x4f: {  	[sflag:s24] =	ssyncadd.s32 $0xFFFFFC00  }
0x50: {  	[hbm4b:s16+s2] =	stream.linear.scatter [tilespmem:s23], [sflag:$0x1], $0x400, $0x38;
	[tilespmem:$0x3F80] =	vst v63  }
0x51: {  	_ =	swait.ge [sflag:s24], $0x400  }
0x52: {  	[sflag:s24] =	ssyncset.done $0x0  }
0x53: {  	[sflag:s24] =	ssyncadd.s32 $0xFFFFFC00  }
0x54: {  	[tilespmem:s23], [sflag:$0x1] =	stream.linear.gather [spmem:s17], $0x400, $0x38;
	[tilespmem:$0x3F80] =	vst v63  }
0x55: {  	_ =	swait.ge [sflag:s24], $0x400  }
0x56: {  	[sflag:s24] =	ssyncset.done $0x0  }
0x57: {  	[sflag:s24] =	ssyncadd.s32 $0xFFFFFC00  }
0x58: {  	[hbm4b:s18+s2] =	stream.linear.scatter [tilespmem:s23], [sflag:$0x1], $0x400, $0x38;
	[tilespmem:$0x3F80] =	vst v63  }
0x59: {  	_ =	swait.ge [sflag:s24], $0x400  }
0x5a: {  	[sflag:s24] =	ssyncset.done $0x0  }
0x5b: {  	[sflag:s24] =	ssyncadd.s32 $0xFFFFFC00  }
0x5c: {  	[tilespmem:s23], [sflag:$0x1] =	stream.linear.gather [spmem:s19], $0x400, $0x38;
	[tilespmem:$0x3F80] =	vst v63  }
0x5d: {  	_ =	swait.ge [sflag:s24], $0x400  }
0x5e: {  	[sflag:s24] =	ssyncset.done $0x0  }
0x5f: {  	[sflag:s24] =	ssyncadd.s32 $0xFFFFFC00  }
0x60: {  	[hbm4b:s20+s2] =	stream.linear.scatter [tilespmem:s23], [sflag:$0x1], $0x400, $0x38;
	[tilespmem:$0x3F80] =	vst v63  }
0x61: {  	_ =	swait.ge [sflag:s24], $0x400  }
0x62: {  	[sflag:s24] =	ssyncset.done $0x0  }
0x63: {  	[sflag:s24] =	ssyncadd.s32 $0xFFFFFC00  }
0x64: {  	[tilespmem:s23], [sflag:$0x1] =	stream.linear.gather [spmem:s21], $0x400, $0x38;
	[tilespmem:$0x3F80] =	vst v63  }
0x65: {  	s26 =	sadd.s32 $0x1, s26;
	_ =	swait.ge [sflag:s24], $0x400  }
0x66: {  	p0 =	sne.s32 s26, s9;
	[sflag:s24] =	ssyncset.done $0x0  }
.Ltmp1:
0x67: {  	[sflag:s24] =	ssyncadd.s32 $0xFFFFFC00;
	(pc) =	sbr.rel @p0 .LBB2_1-.Ltmp1, $4  }
0x68: {  	[hbm4b:s22+s2] =	stream.linear.scatter [tilespmem:s23], [sflag:$0x1], $0x400, $0x38;
	[tilespmem:$0x3F80] =	vst v63  }
0x69: {  	_ =	swait.ge [sflag:s24], $0x400  }
0x6a: {  	[sflag:s24] =	ssyncset.done $0x0  }
0x6b: {  	[sflag:s24] =	ssyncadd.s32 $0xFFFFFC00  }
0x6c: {  	_ =	sfence.sel $0x180000  }
0x6d: {  	[bflag:$0x0] =	sbarrier.arrive $0xFFFF  }
0x6e: {  	p0 =	sne.s32 s3, $0x0;
	_ =	strace $0x90000047  }
0x6f: {  	s0 =	sadd.s32 @!p0 $0x100000, s0;
	[bflag:$0x2] =	sbarrier.arrive $0xFFFF  }
0x70: {  	[sflag:s0] =	ssyncadd.tile.s32 @!p0 $0x1;
	_ =	shalt  }
.Lfunc_end2:
_tile_overlayer_lowered:
.L_overlay_start_2:
0x71: {  	(tag) =	ssettag $0x2  }
0x72: {  	s0 =	rddreg [dreg:$0x0];
	s2 =	stileid.u32  }
0x73: {  	s1 =	rddreg [dreg:$0x1];
	p0 =	sne.s32 s2, $0x0  }
0x74: {  	s3 =	rddreg [dreg:$0x2];
	[bflag:$0x3] =	sbarrier.arrive $0xFFFF;
	s2 =	simm.s32 @!p0 $0x1C01  }
0x75: {  	[timem:s3], [sflag:s2] =	dma.local @!p0 [hbm:s0], s1  }
0x76: {  	s0 =	simm.s32 @!p0 $0x1  }
0x77: {  	_ =	swait.ge @!p0 [sflag:s0], s1  }
0x78: {  	s1 =	ssub.s32 @!p0 $0x0, s1;
	[sflag:s0] =	ssyncset.done @!p0 $0x0  }
0x79: {  	[sflag:s0] =	ssyncadd.s32 @!p0 s1  }
0x7a: {  	[bflag:$0x3] =	sbarrier.arrive $0xFFFF  }
0x7b: {  	_ =	shalt  }

// kernel: kernel.13.cloned.1.call-start
scs
__scs_entry_jumppad:
0x0: {  	(pc) =	sbr.rel $0x88, $3  }
0x1: {  	(tag) =	ssettag $0x0;
	lr =	simm.s32 $0x1  }
0x2: {  	[smem:$0x3F99] =	sst lr;
	_ =	strace $0xD0000000  }
0x3: {  	_ = 	snop  }
0x4: {  	_ = 	snop  }
0x5: {  	_ = 	snop  }
0x6: {  	_ = 	snop  }
0x7: {  	_ = 	snop  }
__scs_overlays_trampoline_lowered:
0x8: {  	[smem:$0x3FA8] =	sst s0  }
0x9: {  	[smem:$0x3FA9] =	sst s1  }
0xa: {  	[smem:$0x3FAA] =	sst s2  }
0xb: {  	[smem:$0x3FAB] =	sst s3  }
0xc: {  	[smem:$0x3FAC] =	sst s4  }
0xd: {  	[smem:$0x3FAD] =	sst s5  }
0xe: {  	[smem:$0x3FAE] =	sst s6  }
0xf: {  	[smem:$0x3FAF] =	sst s7  }
0x10: {  	[smem:$0x3FB0] =	sst s8  }
0x11: {  	[smem:$0x3FB1] =	sst s9;
	s0 =	simm.s32 @!p0 $0x0  }
0x12: {  	s1 =	sld [smem:$0x3F97];
	s0 =	simm.s32 @p0 $0x1  }
0x13: {  	[smem:$0x3FB2] =	sst s0;
	s0 =	simm.s32 @!p1 $0x0  }
0x14: {  	s2 =	sld [smem:$0x3F96];
	s0 =	simm.s32 @p1 $0x1  }
0x15: {  	[smem:$0x3FB3] =	sst s0;
	s0 =	simm.s32 @!p2 $0x0  }
0x16: {  	s3 =	sld [smem:$0x3FDB];
	s0 =	simm.s32 @p2 $0x1  }
0x17: {  	s4 =	simm.s32 $0x1BF5;
	[smem:$0x3FB5] =	sst s0  }
0x18: {  	s0 =	sld [smem:$0x3F98];
	_ =	swait.ge [sflag:s4], $0x0  }
0x19: {  	s7 =	sld [smem:$0x3F99]  }
0x1a: {  	s8 =	sadd.s32 $0xFFFFE003, lr  }
0x1b: {  	s9 =	sadd.s32 $0xFFFFFEF7, lr;
	s5 =	simm.s32 $0xFFFFFFFF;
	p2 =	slt.u32 s8, $0xFFFFF086  }
0x1c: {  	p1 =	slt.u32 s9, $0xF7A;
	s5 =	simm.s32 @!p2 $0x0  }
0x1d: {  	s5 =	simm.s32 @p1 $0x1;
	p0 =	seq.s32 s7, s2  }
0x1e: {  	s7 =	smul.u32 @!p0 $0xF7A, s2;
	p2 =	seq.s32 @!p0 s5, $0x0  }
0x1f: {  	s9 =	smul.u32 $0xF7A, s1;
	s8 =	simm.s32 @!p0 $0x1BF5;
	p2 =	por !p2, p0  }
0x20: {  	[sflag:s8] =	ssyncset.s32 @!p0 $0xFFFFF086;
	s6 =	sadd.s32 @!p0 s3, s7;
	s7 =	simm.s32 @!p0 $0x108  }
0x21: {  	s3 =	sadd.s32 s3, s9;
	s6 =	sadd.s32 @!p0 $0x88, s6;
	s7 =	simm.s32 @p2 $0x1082  }
0x22: {  	[simem:s7], [sflag:s8] =	dma.local @!p0 [hbm:s6], $0xF7A  }
0x23: {  	s9 =	sor.u32 $0xD0000000, s2;
	s6 =	simm.s32 $0x108;
	_ =	swait.ge @!p0 [sflag:s8], $0x0  }
0x24: {  	s3 =	sadd.s32 $0x88, s3;
	s6 =	simm.s32 @!p1 $0x1082;
	[sflag:s4] =	ssyncset.s32 $0xFFFFF086  }
0x25: {  	[simem:s6], [sflag:s4] =	dma.local [hbm:s3], $0xF7A  }
0x26: {  	[smem:$0x3F99] =	sst s1;
	(tag) =	ssettag s2;
	_ =	strace s9  }
0x27: {  	s1 =	sld [smem:$0x3FA9]  }
0x28: {  	s2 =	sld [smem:$0x3FAA]  }
0x29: {  	s4 =	sld [smem:$0x3FAC]  }
0x2a: {  	p0 =	seq.s32 s5, $0x0;
	s5 =	sld [smem:$0x3FAD]  }
0x2b: {  	s6 =	sld [smem:$0x3FAE]  }
0x2c: {  	s7 =	sld [smem:$0x3FAF]  }
0x2d: {  	s3 =	simm.s32 $0x108;
	s8 =	sld [smem:$0x3FB0]  }
0x2e: {  	s3 =	simm.s32 @!p0 $0x1082;
	s9 =	sld [smem:$0x3FB1]  }
0x2f: {  	lr =	sadd.s32 s0, s3;
	s0 =	sld [smem:$0x3FA8]  }
0x30: {  	s3 =	sld [smem:$0x3FAB]  }
0x31: {  	[smem:$0x3FB4] =	sst s10  }
0x32: {  	s10 =	sld [smem:$0x3FB2];
	_ =	sdelay $0x3  }
0x33: {  	p0 =	seq.s32 s10, $0x1;
	s10 =	sld [smem:$0x3FB4];
	_ =	sdelay $0x3  }
0x34: {  	[smem:$0x3FB4] =	sst s10  }
0x35: {  	s10 =	sld [smem:$0x3FB3];
	_ =	sdelay $0x3  }
0x36: {  	p1 =	seq.s32 s10, $0x1;
	s10 =	sld [smem:$0x3FB4];
	_ =	sdelay $0x3  }
0x37: {  	[smem:$0x3FB4] =	sst s10  }
0x38: {  	s10 =	sld [smem:$0x3FB5]  }
0x39: {  	_ = 	snop;
	(pc) =	sbr.ind lr, $3  }
0x3a: {  	_ = 	snop  }
0x3b: {  	_ = 	snop  }
0x3c: {  	p2 =	seq.s32 s10, $0x1;
	s10 =	sld [smem:$0x3FB4]  }
0x3d: {  	_ =	shalt  }
0x3e: {  	_ =	shalt  }
0x3f: {  	_ =	shalt  }
0x40: {  	_ =	shalt  }
0x41: {  	_ =	shalt  }
0x42: {  	_ =	shalt  }
0x43: {  	_ =	shalt  }
0x44: {  	_ =	shalt  }
0x45: {  	_ =	shalt  }
0x46: {  	_ =	shalt  }
0x47: {  	_ =	shalt  }
0x48: {  	_ =	shalt  }
0x49: {  	_ =	shalt  }
0x4a: {  	_ =	shalt  }
0x4b: {  	_ =	shalt  }
0x4c: {  	_ =	shalt  }
0x4d: {  	_ =	shalt  }
0x4e: {  	_ =	shalt  }
0x4f: {  	_ =	shalt  }
0x50: {  	_ =	shalt  }
0x51: {  	_ =	shalt  }
0x52: {  	_ =	shalt  }
0x53: {  	_ =	shalt  }
0x54: {  	_ =	shalt  }
0x55: {  	_ =	shalt  }
0x56: {  	_ =	shalt  }
0x57: {  	_ =	shalt  }
0x58: {  	_ =	shalt  }
0x59: {  	_ =	shalt  }
0x5a: {  	_ =	shalt  }
0x5b: {  	_ =	shalt  }
0x5c: {  	_ =	shalt  }
0x5d: {  	_ =	shalt  }
0x5e: {  	_ =	shalt  }
0x5f: {  	_ =	shalt  }
0x60: {  	_ =	shalt  }
0x61: {  	_ =	shalt  }
0x62: {  	_ =	shalt  }
0x63: {  	_ =	shalt  }
0x64: {  	_ =	shalt  }
0x65: {  	_ =	shalt  }
0x66: {  	_ =	shalt  }
0x67: {  	_ =	shalt  }
0x68: {  	_ =	shalt  }
0x69: {  	_ =	shalt  }
0x6a: {  	_ =	shalt  }
0x6b: {  	_ =	shalt  }
0x6c: {  	_ =	shalt  }
0x6d: {  	_ =	shalt  }
0x6e: {  	_ =	shalt  }
0x6f: {  	_ =	shalt  }
0x70: {  	_ =	shalt  }
0x71: {  	_ =	shalt  }
0x72: {  	_ =	shalt  }
0x73: {  	_ =	shalt  }
0x74: {  	_ =	shalt  }
0x75: {  	_ =	shalt  }
0x76: {  	_ =	shalt  }
0x77: {  	_ =	shalt  }
0x78: {  	_ =	shalt  }
0x79: {  	_ =	shalt  }
0x7a: {  	_ =	shalt  }
0x7b: {  	_ =	shalt  }
0x7c: {  	_ =	shalt  }
0x7d: {  	_ =	shalt  }
0x7e: {  	_ =	shalt  }
0x7f: {  	_ =	shalt  }
0x80: {  	_ =	shalt  }
0x81: {  	_ =	shalt  }
0x82: {  	_ =	shalt  }
0x83: {  	_ =	shalt  }
0x84: {  	_ =	shalt  }
0x85: {  	_ =	shalt  }
0x86: {  	_ =	shalt  }
0x87: {  	_ =	shalt  }
.Lfunc_end0:
.L_simem_size_0:
called_computation.1_lowered:
.L_overlay_start_0:
0x88: {  	s2 =	sld [smem:$0x3FD9]  }
0x89: {  	s3 =	sld [smem:$0x3FFE];
	_ =	sdelay $0x1  }
0x8a: {  	s1 =	srdreg.scid  }
0x8b: {  	s0 =	sand.u32 $0x1, s1  }
0x8c: {  	s17 =	sshll.u32 s0, $0xA;
	s2 =	sadd.s32 s3, s2  }
0x8d: {  	s2 =	sadd.s32 s2, s17  }
0x8e: {  	[smem:$0x3FC0] =	sst s2  }
0x8f: {  	_ = 	snop  }
0x90: {  	s2 =	sld [smem:$0x3FD0];
	(tm) =	ssettm $0x1  }
0x91: {  	s18 =	sld [smem:$0x3FFB];
	_ =	sdelay $0x3  }
0x92: {  	_ =	strace s18  }
0x93: {  	s3 =	sld [smem:$0x3FFC];
	_ =	sdelay $0x3  }
0x94: {  	_ =	strace s3  }
0x95: {  	s3 =	sld [smem:$0x3FFD];
	_ =	sdelay $0x3  }
0x96: {  	_ =	strace s3  }
0x97: {  	_ =	strace $0x8FFFFFFF  }
0x98: {  	s19 =	sld [smem:$0x3FDB];
	_ =	sdelay $0x1  }
0x99: {  	s4 =	simm.s32 $_scs_section_size  }
0x9a: {  	s5 =	simm.s32 $_size__tile_overlayer_lowered;
	s6 =	simm.s32 $_tile_overlayer_lowered  }
0x9b: {  	s22 =	simm.s32 $0x1BFF;
	s21 =	sshll.u32 s6, $0x1;
	s3 =	sadd.s32 s4, s19  }
0x9c: {  	s7 =	simm.s32 $0x0;
	s20 =	sshll.u32 s5, $0x1;
	s5 =	sadd.s32 s21, s3  }
0x9d: {  	[timem:s7], [sflag:s22] =	dma.local [hbm:s5], s20  }
0x9e: {  	_ =	swait.ge [sflag:s22], s20  }
0x9f: {  	s4 =	ssub.s32 $0x0, s20;
	[sflag:s22] =	ssyncset.done $0x0  }
0xa0: {  	[sflag:s22] =	ssyncadd.s32 s4;
	_ =	sdelay $0x1  }
0xa1: {  	s23 =	simm.s32 $0x1B8B  }
0xa2: {  	_ =	swait.ge [sflag:s23], $0x1  }
0xa3: {  	[sflag:s23] =	ssyncset.done $0x0  }
0xa4: {  	s25 =	simm.s32 $0x1B8E;
	s24 =	sld [smem:$0x3FFE];
	[sflag:s23] =	ssyncadd.s32 $0xFFFFFFFF  }
0xa5: {  	s26 =	simm.s32 $execute0_lowered;
	[smem:$0x3FD2] =	sst s25  }
0xa6: {  	s5 =	sshll.u32 s26, $0x1;
	_ =	strace $0x80000049;
	[dreg:$0x1] =	wrdreg $0xFFFFFFFF  }
0xa7: {  	s28 =	simm.s32 $_size_execute0_lowered;
	s3 =	sadd.s32 s3, s5;
	[dreg:$0x0] =	wrdreg $0x0  }
0xa8: {  	s5 =	sshll.u32 s28, $0x1;
	[dreg:$0x2] =	wrdreg s3  }
0xa9: {  	[dreg:$0x3] =	wrdreg s5  }
0xaa: {  	[dreg:$0x4] =	wrdreg $0xC0  }
0xab: {  	_ =	task [dreg:s7], $0x5FFFF  }
0xac: {  	[dreg:$0x1] =	wrdreg $0xFFFFFFFF  }
0xad: {  	[dreg:$0x0] =	wrdreg $0x60  }
0xae: {  	[dreg:$0x2] =	wrdreg s24  }
0xaf: {  	[dreg:$0x3] =	wrdreg s2  }
0xb0: {  	[dreg:$0x4] =	wrdreg $0x8F000  }
0xb1: {  	[dreg:$0x5] =	wrdreg $0x9  }
0xb2: {  	_ =	task.clear_ibuf [dreg:s7], $0x6FFFF;
	_ =	strace $0x90000049  }
0xb3: {  	s29 =	simm.s32 $0x9;
	_ =	strace $0x8000004B  }
0xb4: {  	_ =	swait.ge [sflag:s29], $0x1  }
0xb5: {  	[sflag:s29] =	ssyncadd.s32 $0xFFFFFFFF  }
0xb6: {  	_ =	strace $0x9000004B  }
0xb7: {  	_ =	sfence  }
0xb8: {  	s30 =	sld [smem:$0x0];
	_ =	sdelay $0x2  }
0xb9: {  	s31 =	sshll.u32 s1, $0xD;
	s1 =	sshrl.u32 s1, $0x2  }
0xba: {  	s3 =	sand.u32 $0x4000, s31;
	s1 =	sadd.s32 s1, s30  }
0xbb: {  	s0 =	sor.u32 s3, s0;
	s1 =	sshll.u32 s1, $0x11  }
0xbc: {  	s0 =	sor.u32 s1, s0  }
0xbd: {  	s0 =	sadd.s32 $0x8F2B, s0  }
0xbe: {  	[sflag:s0] =	ssyncadd.remote.s32 $0x1  }
0xbf: {  	_ =	sfence.sel $0xFFFF  }
0xc0: {  	[dreg:$0x0] =	wrdreg $0xFFFFFFFF;
	(pc) =	sbr.abs _section_cstart, $3  }
0xc1: {  	[dreg:$0x1] =	wrdreg $0xFFFFFFFF  }
0xc2: {  	_ =	task.clear_ibuf [dreg:s7], $0x2FFFF;
	_ =	strace $0x9FFFFFFF  }
0xc3: {  	(tm) =	ssettm $0x7FFFFFFF  }
tec
execute0_lowered:
.L_overlay_start_1:
0x0: {  	(tag) =	ssettag $0x1  }
0x1: {  	s6 =	rddreg [dreg:$0x0]  }
0x2: {  	s0 =	srdreg.scid;
	s8 =	rddreg [dreg:$0x1]  }
0x3: {  	s2 =	rddreg [dreg:$0x2];
	s3 =	simm.s32 $0x0;
	s15 =	simm.s32 $0x4F00  }
0x4: {  	s16 =	simm.s32 $0x2;
	s17 =	simm.s32 $0x2780;
	s18 =	simm.s32 $0x80  }
0x5: {  	s19 =	simm.s32 $0x1;
	s7 =	sand.u32 $0x1, s0;
	s0 =	stileid.u32  }
0x6: {  	s22 =	simm.s32 $0x0;
	[smem:$0x7FF] =	sst s3;
	s10 =	smul.u32 $0x140000, s7  }
0x7: {  	s5 =	sadd.s32 $0x3000, s6;
	s1 =	sshll.u32 s7, $0x4;
	s11 =	smul.u32 $0x14000, s0  }
0x8: {  	s13 =	smul.u32 $0x50000, s0;
	s7 =	ssub.s32 $0x2, s7;
	s20 =	sshll.u32 s0, $0x6  }
0x9: {  	s4 =	sor.u32 s0, s1;
	s1 =	rddreg [dreg:$0x3];
	_ =	strace $0x8000004A  }
0xa: {  	s14 =	sshrl.u32 s7, $0x1;
	s20 =	sor.u32 $0x1C02, s20;
	s9 =	smul.u32 $0x4F0, s4  }
0xb: {  	s4 =	sadd.s32 $0x12200, s6;
	s10 =	sadd.s32 s11, s10;
	s13 =	sshrl.u32 s13, $0x2  }
0xc: {  	s14 =	ssub.s32 s7, s14;
	s21 =	sadd.s32 s11, s2;
	s10 =	sshrl.u32 s10, $0x3  }
0xd: {  	s21 =	sshrl.u32 s21, $0x3;
	s12 =	sadd.s32 s9, s6;
	s10 =	sadd.s32 s10, s6  }
0xe: {  	s6 =	sadd.s32 s13, s2;
	s8 =	sadd.s32 s8, s9;
	s7 =	sadd.s32 $0x8400, s12  }
0xf: {  	s9 =	sadd.s32 $0x3A200, s10;
	s10 =	smax.u32 s14, $0x1;
	s11 =	sadd.s32 $0x4000, s6  }
0x10: {  	s12 =	sadd.s32 $0x8000, s6;
	s13 =	sadd.s32 $0xC000, s6;
	s14 =	sadd.s32 $0x10000, s6  }
.LBB2_1:
0x11: {  	[tilespmem:s15], [sflag:$0x2] =	stream.linear.gather [hbm4b:s5+s3], $0x4000, $0x38;
	[tilespmem:$0x1CF00] =	vst v63  }
0x12: {  	_ =	swait.ge [sflag:s16], $0x4000  }
0x13: {  	[sflag:s16] =	ssyncset.done $0x0  }
0x14: {  	[sflag:s16] =	ssyncadd.s32 $0xFFFFC000  }
0x15: {  	[spmem:s6] =	stream.linear.scatter [tilespmem:s15], [sflag:$0x2], $0x4000, $0x38;
	[tilespmem:$0x1CF00] =	vst v63  }
0x16: {  	_ =	swait.ge [sflag:s16], $0x4000  }
0x17: {  	[sflag:s16] =	ssyncset.done $0x0  }
0x18: {  	[sflag:s16] =	ssyncadd.s32 $0xFFFFC000  }
0x19: {  	[spmem:s11] =	stream.linear.scatter [tilespmem:s15], [sflag:$0x2], $0x4000, $0x38;
	[tilespmem:$0x1CF00] =	vst v63  }
0x1a: {  	_ =	swait.ge [sflag:s16], $0x4000  }
0x1b: {  	[sflag:s16] =	ssyncset.done $0x0  }
0x1c: {  	[sflag:s16] =	ssyncadd.s32 $0xFFFFC000  }
0x1d: {  	[spmem:s12] =	stream.linear.scatter [tilespmem:s15], [sflag:$0x2], $0x4000, $0x38;
	[tilespmem:$0x1CF00] =	vst v63  }
0x1e: {  	_ =	swait.ge [sflag:s16], $0x4000  }
0x1f: {  	[sflag:s16] =	ssyncset.done $0x0  }
0x20: {  	[sflag:s16] =	ssyncadd.s32 $0xFFFFC000  }
0x21: {  	[spmem:s13] =	stream.linear.scatter [tilespmem:s15], [sflag:$0x2], $0x4000, $0x38;
	[tilespmem:$0x1CF00] =	vst v63  }
0x22: {  	_ =	swait.ge [sflag:s16], $0x4000  }
0x23: {  	[sflag:s16] =	ssyncset.done $0x0  }
0x24: {  	[sflag:s16] =	ssyncadd.s32 $0xFFFFC000  }
0x25: {  	[spmem:s14] =	stream.linear.scatter [tilespmem:s15], [sflag:$0x2], $0x4000, $0x38;
	[tilespmem:$0x1CF00] =	vst v63  }
0x26: {  	_ =	swait.ge [sflag:s16], $0x4000  }
0x27: {  	[sflag:s16] =	ssyncset.done $0x0  }
0x28: {  	[sflag:s16] =	ssyncadd.s32 $0xFFFFC000  }
0x29: {  	[tilespmem:s3], [sflag:$0x2] =	stream.linear.gather [hbm4b:s7+s3], $0x2780, $0x38;
	[tilespmem:$0x1CF00] =	vst v63  }
0x2a: {  	_ =	swait.ge [sflag:s16], $0x2780  }
0x2b: {  	[sflag:s16] =	ssyncset.done $0x0  }
0x2c: {  	[sflag:s16] =	ssyncadd.s32 $0xFFFFD880  }
0x2d: {  	[tilespmem:s17], [sflag:$0x2] =	stream.linear.gather [hbm4b:s8+s3], $0x2780, $0x38;
	[tilespmem:$0x1CF00] =	vst v63  }
0x2e: {  	_ =	swait.ge [sflag:s16], $0x2780  }
0x2f: {  	[sflag:s16] =	ssyncset.done $0x0  }
0x30: {  	[sflag:s16] =	ssyncadd.s32 $0xFFFFD880  }
0x31: {  	s23 =	simm.s32 $0x0;
	[bflag:$0x0] =	sbarrier.arrive $0xFFFF  }
0x32: {  	[tilespmem:s15], [sflag:$0x1] =	stream.indirect.gather [hbm4b:s4+s18], $0x80, s23, s18, $0xb8;
	[tilespmem:$0x1CF00] =	vst v63  }
0x33: {  	_ =	swait.ge [sflag:s19], $0x4000  }
0x34: {  	[sflag:s19] =	ssyncset.done $0x0  }
0x35: {  	s31 =	simm.s32 $0x2780;
	[sflag:s19] =	ssyncadd.s32 $0xFFFFC000  }
0x36: {  	[spmem:s2] =	stream.indirect.scatter.add.f32 [tilespmem:s15], [sflag:$0x2], $0x80, s31, s18, $0xb8;
	[tilespmem:$0x1CF00] =	vst v63  }
0x37: {  	_ =	swait.ge [sflag:s16], $0x4000  }
0x38: {  	s24 =	simm.s32 $0x400;
	s23 =	simm.s32 $0x200;
	[sflag:s16] =	ssyncset.done $0x0  }
.LBB2_2:
0x39: {  	s25 =	sshra.s32 s23, $0x2  }
0x3a: {  	[sflag:s16] =	ssyncadd.s32 $0xFFFFC000;
	s23 =	smov.u32 s24;
	s26 =	sadd.s32 $0x200, s24  }
0x3b: {  	[tilespmem:s15], [sflag:$0x1] =	stream.indirect.gather [hbm4b:s4+s18], $0x80, s25, s18, $0xb8;
	[tilespmem:$0x1CF00] =	vst v63  }
0x3c: {  	p0 =	sne.s32 s24, $0x9C00;
	_ =	swait.ge [sflag:s19], $0x4000  }
.Ltmp0:
0x3d: {  	[sflag:s19] =	ssyncset.done $0x0;
	(pc) =	sbr.rel @p0 .LBB2_2-.Ltmp0, $4  }
0x3e: {  	s24 =	sadd.s32 $0x2780, s25;
	[sflag:s19] =	ssyncadd.s32 $0xFFFFC000  }
0x3f: {  	[spmem:s2] =	stream.indirect.scatter.add.f32 [tilespmem:s15], [sflag:$0x2], $0x80, s24, s18, $0xb8;
	[tilespmem:$0x1CF00] =	vst v63  }
0x40: {  	_ =	swait.ge [sflag:s16], $0x4000  }
0x41: {  	s24 =	smov.u32 s26;
	[sflag:s16] =	ssyncset.done $0x0  }
0x42: {  	s23 =	sshra.s32 s23, $0x2;
	[sflag:s16] =	ssyncadd.s32 $0xFFFFC000  }
0x43: {  	[tilespmem:s15], [sflag:$0x1] =	stream.indirect.gather [hbm4b:s4+s18], $0x80, s23, s18, $0xb8;
	[tilespmem:$0x1CF00] =	vst v63  }
0x44: {  	_ =	swait.ge [sflag:s19], $0x4000  }
0x45: {  	[sflag:s19] =	ssyncset.done $0x0  }
0x46: {  	s23 =	sadd.s32 $0x2780, s23;
	[sflag:s19] =	ssyncadd.s32 $0xFFFFC000  }
0x47: {  	[spmem:s2] =	stream.indirect.scatter.add.f32 [tilespmem:s15], [sflag:$0x2], $0x80, s23, s18, $0xb8;
	[tilespmem:$0x1CF00] =	vst v63  }
0x48: {  	_ =	swait.ge [sflag:s16], $0x4000  }
0x49: {  	s22 =	sadd.s32 $0x1, s22;
	[sflag:s16] =	ssyncset.done $0x0  }
0x4a: {  	p0 =	sne.s32 s22, s10;
	[sflag:s16] =	ssyncadd.s32 $0xFFFFC000  }
.Ltmp1:
0x4b: {  	[bflag:$0x0] =	sbarrier.arrive $0xFFFF;
	(pc) =	sbr.rel @p0 .LBB2_1-.Ltmp1, $4  }
0x4c: {  	[hbm:s9], [sflag:s20] =	dma.local [spmem:s21], $0x2800  }
0x4d: {  	_ =	swait.ge [sflag:s16], $0x2800  }
0x4e: {  	[sflag:s16] =	ssyncset.done $0x0  }
0x4f: {  	[sflag:s16] =	ssyncadd.s32 $0xFFFFD800  }
0x50: {  	_ =	sfence.sel $0x180000  }
0x51: {  	[bflag:$0x0] =	sbarrier.arrive $0xFFFF  }
0x52: {  	p0 =	sne.s32 s0, $0x0;
	_ =	strace $0x9000004A  }
0x53: {  	s0 =	sadd.s32 @!p0 $0x100000, s1;
	[bflag:$0x2] =	sbarrier.arrive $0xFFFF  }
0x54: {  	[sflag:s0] =	ssyncadd.tile.s32 @!p0 $0x1;
	_ =	shalt  }
.Lfunc_end2:
_tile_overlayer_lowered:
.L_overlay_start_2:
0x55: {  	(tag) =	ssettag $0x2  }
0x56: {  	s0 =	rddreg [dreg:$0x0];
	s2 =	stileid.u32  }
0x57: {  	s1 =	rddreg [dreg:$0x1];
	p0 =	sne.s32 s2, $0x0  }
0x58: {  	s3 =	rddreg [dreg:$0x2];
	[bflag:$0x3] =	sbarrier.arrive $0xFFFF;
	s2 =	simm.s32 @!p0 $0x1C02  }
0x59: {  	[timem:s3], [sflag:s2] =	dma.local @!p0 [hbm:s0], s1  }
0x5a: {  	s0 =	simm.s32 @!p0 $0x2  }
0x5b: {  	_ =	swait.ge @!p0 [sflag:s0], s1  }
0x5c: {  	s1 =	ssub.s32 @!p0 $0x0, s1;
	[sflag:s0] =	ssyncset.done @!p0 $0x0  }
0x5d: {  	[sflag:s0] =	ssyncadd.s32 @!p0 s1  }
0x5e: {  	[bflag:$0x3] =	sbarrier.arrive $0xFFFF  }
0x5f: {  	_ =	shalt  }

// kernel: kernel.16.cloned.1.call-start
scs
__scs_entry_jumppad:
0x0: {  	(pc) =	sbr.rel $0x88, $3  }
0x1: {  	(tag) =	ssettag $0x0;
	lr =	simm.s32 $0x1  }
0x2: {  	[smem:$0x3F99] =	sst lr;
	_ =	strace $0xD0000000  }
0x3: {  	_ = 	snop  }
0x4: {  	_ = 	snop  }
0x5: {  	_ = 	snop  }
0x6: {  	_ = 	snop  }
0x7: {  	_ = 	snop  }
__scs_overlays_trampoline_lowered:
0x8: {  	[smem:$0x3FA8] =	sst s0  }
0x9: {  	[smem:$0x3FA9] =	sst s1  }
0xa: {  	[smem:$0x3FAA] =	sst s2  }
0xb: {  	[smem:$0x3FAB] =	sst s3  }
0xc: {  	[smem:$0x3FAC] =	sst s4  }
0xd: {  	[smem:$0x3FAD] =	sst s5  }
0xe: {  	[smem:$0x3FAE] =	sst s6  }
0xf: {  	[smem:$0x3FAF] =	sst s7  }
0x10: {  	[smem:$0x3FB0] =	sst s8  }
0x11: {  	[smem:$0x3FB1] =	sst s9;
	s0 =	simm.s32 @!p0 $0x0  }
0x12: {  	s1 =	sld [smem:$0x3F97];
	s0 =	simm.s32 @p0 $0x1  }
0x13: {  	[smem:$0x3FB2] =	sst s0;
	s0 =	simm.s32 @!p1 $0x0  }
0x14: {  	s2 =	sld [smem:$0x3F96];
	s0 =	simm.s32 @p1 $0x1  }
0x15: {  	[smem:$0x3FB3] =	sst s0;
	s0 =	simm.s32 @!p2 $0x0  }
0x16: {  	s3 =	sld [smem:$0x3FDB];
	s0 =	simm.s32 @p2 $0x1  }
0x17: {  	s4 =	simm.s32 $0x1BF5;
	[smem:$0x3FB5] =	sst s0  }
0x18: {  	s0 =	sld [smem:$0x3F98];
	_ =	swait.ge [sflag:s4], $0x0  }
0x19: {  	s7 =	sld [smem:$0x3F99]  }
0x1a: {  	s8 =	sadd.s32 $0xFFFFE003, lr  }
0x1b: {  	s9 =	sadd.s32 $0xFFFFFEF7, lr;
	s5 =	simm.s32 $0xFFFFFFFF;
	p2 =	slt.u32 s8, $0xFFFFF086  }
0x1c: {  	p1 =	slt.u32 s9, $0xF7A;
	s5 =	simm.s32 @!p2 $0x0  }
0x1d: {  	s5 =	simm.s32 @p1 $0x1;
	p0 =	seq.s32 s7, s2  }
0x1e: {  	s7 =	smul.u32 @!p0 $0xF7A, s2;
	p2 =	seq.s32 @!p0 s5, $0x0  }
0x1f: {  	s9 =	smul.u32 $0xF7A, s1;
	s8 =	simm.s32 @!p0 $0x1BF5;
	p2 =	por !p2, p0  }
0x20: {  	[sflag:s8] =	ssyncset.s32 @!p0 $0xFFFFF086;
	s6 =	sadd.s32 @!p0 s3, s7;
	s7 =	simm.s32 @!p0 $0x108  }
0x21: {  	s3 =	sadd.s32 s3, s9;
	s6 =	sadd.s32 @!p0 $0x88, s6;
	s7 =	simm.s32 @p2 $0x1082  }
0x22: {  	[simem:s7], [sflag:s8] =	dma.local @!p0 [hbm:s6], $0xF7A  }
0x23: {  	s9 =	sor.u32 $0xD0000000, s2;
	s6 =	simm.s32 $0x108;
	_ =	swait.ge @!p0 [sflag:s8], $0x0  }
0x24: {  	s3 =	sadd.s32 $0x88, s3;
	s6 =	simm.s32 @!p1 $0x1082;
	[sflag:s4] =	ssyncset.s32 $0xFFFFF086  }
0x25: {  	[simem:s6], [sflag:s4] =	dma.local [hbm:s3], $0xF7A  }
0x26: {  	[smem:$0x3F99] =	sst s1;
	(tag) =	ssettag s2;
	_ =	strace s9  }
0x27: {  	s1 =	sld [smem:$0x3FA9]  }
0x28: {  	s2 =	sld [smem:$0x3FAA]  }
0x29: {  	s4 =	sld [smem:$0x3FAC]  }
0x2a: {  	p0 =	seq.s32 s5, $0x0;
	s5 =	sld [smem:$0x3FAD]  }
0x2b: {  	s6 =	sld [smem:$0x3FAE]  }
0x2c: {  	s7 =	sld [smem:$0x3FAF]  }
0x2d: {  	s3 =	simm.s32 $0x108;
	s8 =	sld [smem:$0x3FB0]  }
0x2e: {  	s3 =	simm.s32 @!p0 $0x1082;
	s9 =	sld [smem:$0x3FB1]  }
0x2f: {  	lr =	sadd.s32 s0, s3;
	s0 =	sld [smem:$0x3FA8]  }
0x30: {  	s3 =	sld [smem:$0x3FAB]  }
0x31: {  	[smem:$0x3FB4] =	sst s10  }
0x32: {  	s10 =	sld [smem:$0x3FB2];
	_ =	sdelay $0x3  }
0x33: {  	p0 =	seq.s32 s10, $0x1;
	s10 =	sld [smem:$0x3FB4];
	_ =	sdelay $0x3  }
0x34: {  	[smem:$0x3FB4] =	sst s10  }
0x35: {  	s10 =	sld [smem:$0x3FB3];
	_ =	sdelay $0x3  }
0x36: {  	p1 =	seq.s32 s10, $0x1;
	s10 =	sld [smem:$0x3FB4];
	_ =	sdelay $0x3  }
0x37: {  	[smem:$0x3FB4] =	sst s10  }
0x38: {  	s10 =	sld [smem:$0x3FB5]  }
0x39: {  	_ = 	snop;
	(pc) =	sbr.ind lr, $3  }
0x3a: {  	_ = 	snop  }
0x3b: {  	_ = 	snop  }
0x3c: {  	p2 =	seq.s32 s10, $0x1;
	s10 =	sld [smem:$0x3FB4]  }
0x3d: {  	_ =	shalt  }
0x3e: {  	_ =	shalt  }
0x3f: {  	_ =	shalt  }
0x40: {  	_ =	shalt  }
0x41: {  	_ =	shalt  }
0x42: {  	_ =	shalt  }
0x43: {  	_ =	shalt  }
0x44: {  	_ =	shalt  }
0x45: {  	_ =	shalt  }
0x46: {  	_ =	shalt  }
0x47: {  	_ =	shalt  }
0x48: {  	_ =	shalt  }
0x49: {  	_ =	shalt  }
0x4a: {  	_ =	shalt  }
0x4b: {  	_ =	shalt  }
0x4c: {  	_ =	shalt  }
0x4d: {  	_ =	shalt  }
0x4e: {  	_ =	shalt  }
0x4f: {  	_ =	shalt  }
0x50: {  	_ =	shalt  }
0x51: {  	_ =	shalt  }
0x52: {  	_ =	shalt  }
0x53: {  	_ =	shalt  }
0x54: {  	_ =	shalt  }
0x55: {  	_ =	shalt  }
0x56: {  	_ =	shalt  }
0x57: {  	_ =	shalt  }
0x58: {  	_ =	shalt  }
0x59: {  	_ =	shalt  }
0x5a: {  	_ =	shalt  }
0x5b: {  	_ =	shalt  }
0x5c: {  	_ =	shalt  }
0x5d: {  	_ =	shalt  }
0x5e: {  	_ =	shalt  }
0x5f: {  	_ =	shalt  }
0x60: {  	_ =	shalt  }
0x61: {  	_ =	shalt  }
0x62: {  	_ =	shalt  }
0x63: {  	_ =	shalt  }
0x64: {  	_ =	shalt  }
0x65: {  	_ =	shalt  }
0x66: {  	_ =	shalt  }
0x67: {  	_ =	shalt  }
0x68: {  	_ =	shalt  }
0x69: {  	_ =	shalt  }
0x6a: {  	_ =	shalt  }
0x6b: {  	_ =	shalt  }
0x6c: {  	_ =	shalt  }
0x6d: {  	_ =	shalt  }
0x6e: {  	_ =	shalt  }
0x6f: {  	_ =	shalt  }
0x70: {  	_ =	shalt  }
0x71: {  	_ =	shalt  }
0x72: {  	_ =	shalt  }
0x73: {  	_ =	shalt  }
0x74: {  	_ =	shalt  }
0x75: {  	_ =	shalt  }
0x76: {  	_ =	shalt  }
0x77: {  	_ =	shalt  }
0x78: {  	_ =	shalt  }
0x79: {  	_ =	shalt  }
0x7a: {  	_ =	shalt  }
0x7b: {  	_ =	shalt  }
0x7c: {  	_ =	shalt  }
0x7d: {  	_ =	shalt  }
0x7e: {  	_ =	shalt  }
0x7f: {  	_ =	shalt  }
0x80: {  	_ =	shalt  }
0x81: {  	_ =	shalt  }
0x82: {  	_ =	shalt  }
0x83: {  	_ =	shalt  }
0x84: {  	_ =	shalt  }
0x85: {  	_ =	shalt  }
0x86: {  	_ =	shalt  }
0x87: {  	_ =	shalt  }
.Lfunc_end0:
.L_simem_size_0:
called_computation.2_lowered:
.L_overlay_start_0:
0x88: {  	s2 =	sld [smem:$0x3FD9]  }
0x89: {  	s3 =	sld [smem:$0x3FFE];
	_ =	sdelay $0x1  }
0x8a: {  	s1 =	srdreg.scid  }
0x8b: {  	s0 =	sand.u32 $0x1, s1  }
0x8c: {  	s17 =	sshll.u32 s0, $0xA;
	s2 =	sadd.s32 s3, s2  }
0x8d: {  	s2 =	sadd.s32 s2, s17  }
0x8e: {  	[smem:$0x3FC0] =	sst s2  }
0x8f: {  	_ = 	snop  }
0x90: {  	s2 =	sld [smem:$0x3FD0];
	(tm) =	ssettm $0x1  }
0x91: {  	s18 =	sld [smem:$0x3FFB];
	_ =	sdelay $0x3  }
0x92: {  	_ =	strace s18  }
0x93: {  	s3 =	sld [smem:$0x3FFC];
	_ =	sdelay $0x3  }
0x94: {  	_ =	strace s3  }
0x95: {  	s3 =	sld [smem:$0x3FFD];
	_ =	sdelay $0x3  }
0x96: {  	_ =	strace s3  }
0x97: {  	_ =	strace $0x8FFFFFFF  }
0x98: {  	s19 =	sld [smem:$0x3FDB];
	_ =	sdelay $0x1  }
0x99: {  	s4 =	simm.s32 $_scs_section_size  }
0x9a: {  	s5 =	simm.s32 $_size__tile_overlayer_lowered;
	s6 =	simm.s32 $_tile_overlayer_lowered  }
0x9b: {  	s22 =	simm.s32 $0x1BFF;
	s21 =	sshll.u32 s6, $0x1;
	s3 =	sadd.s32 s4, s19  }
0x9c: {  	s7 =	simm.s32 $0x0;
	s20 =	sshll.u32 s5, $0x1;
	s5 =	sadd.s32 s21, s3  }
0x9d: {  	[timem:s7], [sflag:s22] =	dma.local [hbm:s5], s20  }
0x9e: {  	_ =	swait.ge [sflag:s22], s20  }
0x9f: {  	s4 =	ssub.s32 $0x0, s20;
	[sflag:s22] =	ssyncset.done $0x0  }
0xa0: {  	[sflag:s22] =	ssyncadd.s32 s4;
	_ =	sdelay $0x1  }
0xa1: {  	s23 =	simm.s32 $0x1B8B  }
0xa2: {  	_ =	swait.ge [sflag:s23], $0x1  }
0xa3: {  	[sflag:s23] =	ssyncset.done $0x0  }
0xa4: {  	s25 =	simm.s32 $0x1B8E;
	s24 =	sld [smem:$0x3FFE];
	[sflag:s23] =	ssyncadd.s32 $0xFFFFFFFF  }
0xa5: {  	s26 =	simm.s32 $execute0_lowered;
	[smem:$0x3FD2] =	sst s25  }
0xa6: {  	s5 =	sshll.u32 s26, $0x1;
	_ =	strace $0x8000004C;
	[dreg:$0x1] =	wrdreg $0xFFFFFFFF  }
0xa7: {  	s28 =	simm.s32 $_size_execute0_lowered;
	s3 =	sadd.s32 s3, s5;
	[dreg:$0x0] =	wrdreg $0x0  }
0xa8: {  	s5 =	sshll.u32 s28, $0x1;
	[dreg:$0x2] =	wrdreg s3  }
0xa9: {  	[dreg:$0x3] =	wrdreg s5  }
0xaa: {  	[dreg:$0x4] =	wrdreg $0xC0  }
0xab: {  	_ =	task [dreg:s7], $0x5FFFF  }
0xac: {  	[dreg:$0x1] =	wrdreg $0xFFFFFFFF  }
0xad: {  	[dreg:$0x0] =	wrdreg $0x60  }
0xae: {  	[dreg:$0x2] =	wrdreg s24  }
0xaf: {  	[dreg:$0x3] =	wrdreg s2  }
0xb0: {  	[dreg:$0x4] =	wrdreg $0x8F000  }
0xb1: {  	[dreg:$0x5] =	wrdreg $0x9  }
0xb2: {  	_ =	task.clear_ibuf [dreg:s7], $0x6FFFF;
	_ =	strace $0x9000004C  }
0xb3: {  	s29 =	simm.s32 $0x9;
	_ =	strace $0x8000004E  }
0xb4: {  	_ =	swait.ge [sflag:s29], $0x1  }
0xb5: {  	[sflag:s29] =	ssyncadd.s32 $0xFFFFFFFF  }
0xb6: {  	_ =	strace $0x9000004E  }
0xb7: {  	_ =	sfence  }
0xb8: {  	s30 =	sld [smem:$0x0];
	_ =	sdelay $0x2  }
0xb9: {  	s31 =	sshll.u32 s1, $0xD;
	s1 =	sshrl.u32 s1, $0x2  }
0xba: {  	s3 =	sand.u32 $0x4000, s31;
	s1 =	sadd.s32 s1, s30  }
0xbb: {  	s0 =	sor.u32 s3, s0;
	s1 =	sshll.u32 s1, $0x11  }
0xbc: {  	s0 =	sor.u32 s1, s0  }
0xbd: {  	s0 =	sadd.s32 $0x8F2B, s0  }
0xbe: {  	[sflag:s0] =	ssyncadd.remote.s32 $0x1  }
0xbf: {  	_ =	sfence.sel $0xFFFF  }
0xc0: {  	[dreg:$0x0] =	wrdreg $0xFFFFFFFF;
	(pc) =	sbr.abs _section_cstart, $3  }
0xc1: {  	[dreg:$0x1] =	wrdreg $0xFFFFFFFF  }
0xc2: {  	_ =	task.clear_ibuf [dreg:s7], $0x2FFFF;
	_ =	strace $0x9FFFFFFF  }
0xc3: {  	(tm) =	ssettm $0x7FFFFFFF  }
tec
execute0_lowered:
.L_overlay_start_1:
0x0: {  	(tag) =	ssettag $0x1  }
0x1: {  	s6 =	rddreg [dreg:$0x0]  }
0x2: {  	s0 =	srdreg.scid;
	s8 =	rddreg [dreg:$0x1]  }
0x3: {  	s2 =	rddreg [dreg:$0x2];
	s3 =	simm.s32 $0x0;
	s15 =	simm.s32 $0x4F00  }
0x4: {  	s16 =	simm.s32 $0x2;
	s17 =	simm.s32 $0x2780;
	s18 =	simm.s32 $0x80  }
0x5: {  	s19 =	simm.s32 $0x1;
	s7 =	sand.u32 $0x1, s0;
	s0 =	stileid.u32  }
0x6: {  	s22 =	simm.s32 $0x0;
	[smem:$0x7FF] =	sst s3;
	s10 =	smul.u32 $0x140000, s7  }
0x7: {  	s5 =	sadd.s32 $0x3000, s6;
	s1 =	sshll.u32 s7, $0x4;
	s11 =	smul.u32 $0x14000, s0  }
0x8: {  	s13 =	smul.u32 $0x50000, s0;
	s7 =	ssub.s32 $0x2, s7;
	s20 =	sshll.u32 s0, $0x6  }
0x9: {  	s4 =	sor.u32 s0, s1;
	s1 =	rddreg [dreg:$0x3];
	_ =	strace $0x8000004D  }
0xa: {  	s14 =	sshrl.u32 s7, $0x1;
	s20 =	sor.u32 $0x1C02, s20;
	s9 =	smul.u32 $0x4F0, s4  }
0xb: {  	s4 =	sadd.s32 $0x12200, s6;
	s10 =	sadd.s32 s11, s10;
	s13 =	sshrl.u32 s13, $0x2  }
0xc: {  	s14 =	ssub.s32 s7, s14;
	s21 =	sadd.s32 s11, s2;
	s10 =	sshrl.u32 s10, $0x3  }
0xd: {  	s21 =	sshrl.u32 s21, $0x3;
	s12 =	sadd.s32 s9, s6;
	s10 =	sadd.s32 s10, s6  }
0xe: {  	s6 =	sadd.s32 s13, s2;
	s8 =	sadd.s32 s8, s9;
	s7 =	sadd.s32 $0x8400, s12  }
0xf: {  	s9 =	sadd.s32 $0x3A200, s10;
	s10 =	smax.u32 s14, $0x1;
	s11 =	sadd.s32 $0x4000, s6  }
0x10: {  	s12 =	sadd.s32 $0x8000, s6;
	s13 =	sadd.s32 $0xC000, s6;
	s14 =	sadd.s32 $0x10000, s6  }
.LBB2_1:
0x11: {  	[tilespmem:s15], [sflag:$0x2] =	stream.linear.gather [hbm4b:s5+s3], $0x4000, $0x38;
	[tilespmem:$0x1CF00] =	vst v63  }
0x12: {  	_ =	swait.ge [sflag:s16], $0x4000  }
0x13: {  	[sflag:s16] =	ssyncset.done $0x0  }
0x14: {  	[sflag:s16] =	ssyncadd.s32 $0xFFFFC000  }
0x15: {  	[spmem:s6] =	stream.linear.scatter [tilespmem:s15], [sflag:$0x2], $0x4000, $0x38;
	[tilespmem:$0x1CF00] =	vst v63  }
0x16: {  	_ =	swait.ge [sflag:s16], $0x4000  }
0x17: {  	[sflag:s16] =	ssyncset.done $0x0  }
0x18: {  	[sflag:s16] =	ssyncadd.s32 $0xFFFFC000  }
0x19: {  	[spmem:s11] =	stream.linear.scatter [tilespmem:s15], [sflag:$0x2], $0x4000, $0x38;
	[tilespmem:$0x1CF00] =	vst v63  }
0x1a: {  	_ =	swait.ge [sflag:s16], $0x4000  }
0x1b: {  	[sflag:s16] =	ssyncset.done $0x0  }
0x1c: {  	[sflag:s16] =	ssyncadd.s32 $0xFFFFC000  }
0x1d: {  	[spmem:s12] =	stream.linear.scatter [tilespmem:s15], [sflag:$0x2], $0x4000, $0x38;
	[tilespmem:$0x1CF00] =	vst v63  }
0x1e: {  	_ =	swait.ge [sflag:s16], $0x4000  }
0x1f: {  	[sflag:s16] =	ssyncset.done $0x0  }
0x20: {  	[sflag:s16] =	ssyncadd.s32 $0xFFFFC000  }
0x21: {  	[spmem:s13] =	stream.linear.scatter [tilespmem:s15], [sflag:$0x2], $0x4000, $0x38;
	[tilespmem:$0x1CF00] =	vst v63  }
0x22: {  	_ =	swait.ge [sflag:s16], $0x4000  }
0x23: {  	[sflag:s16] =	ssyncset.done $0x0  }
0x24: {  	[sflag:s16] =	ssyncadd.s32 $0xFFFFC000  }
0x25: {  	[spmem:s14] =	stream.linear.scatter [tilespmem:s15], [sflag:$0x2], $0x4000, $0x38;
	[tilespmem:$0x1CF00] =	vst v63  }
0x26: {  	_ =	swait.ge [sflag:s16], $0x4000  }
0x27: {  	[sflag:s16] =	ssyncset.done $0x0  }
0x28: {  	[sflag:s16] =	ssyncadd.s32 $0xFFFFC000  }
0x29: {  	[tilespmem:s3], [sflag:$0x2] =	stream.linear.gather [hbm4b:s7+s3], $0x2780, $0x38;
	[tilespmem:$0x1CF00] =	vst v63  }
0x2a: {  	_ =	swait.ge [sflag:s16], $0x2780  }
0x2b: {  	[sflag:s16] =	ssyncset.done $0x0  }
0x2c: {  	[sflag:s16] =	ssyncadd.s32 $0xFFFFD880  }
0x2d: {  	[tilespmem:s17], [sflag:$0x2] =	stream.linear.gather [hbm4b:s8+s3], $0x2780, $0x38;
	[tilespmem:$0x1CF00] =	vst v63  }
0x2e: {  	_ =	swait.ge [sflag:s16], $0x2780  }
0x2f: {  	[sflag:s16] =	ssyncset.done $0x0  }
0x30: {  	[sflag:s16] =	ssyncadd.s32 $0xFFFFD880  }
0x31: {  	s23 =	simm.s32 $0x0;
	[bflag:$0x0] =	sbarrier.arrive $0xFFFF  }
0x32: {  	[tilespmem:s15], [sflag:$0x1] =	stream.indirect.gather [hbm4b:s4+s18], $0x80, s23, s18, $0xb8;
	[tilespmem:$0x1CF00] =	vst v63  }
0x33: {  	_ =	swait.ge [sflag:s19], $0x4000  }
0x34: {  	[sflag:s19] =	ssyncset.done $0x0  }
0x35: {  	s31 =	simm.s32 $0x2780;
	[sflag:s19] =	ssyncadd.s32 $0xFFFFC000  }
0x36: {  	[spmem:s2] =	stream.indirect.scatter.add.f32 [tilespmem:s15], [sflag:$0x2], $0x80, s31, s18, $0xb8;
	[tilespmem:$0x1CF00] =	vst v63  }
0x37: {  	_ =	swait.ge [sflag:s16], $0x4000  }
0x38: {  	s24 =	simm.s32 $0x400;
	s23 =	simm.s32 $0x200;
	[sflag:s16] =	ssyncset.done $0x0  }
.LBB2_2:
0x39: {  	s25 =	sshra.s32 s23, $0x2  }
0x3a: {  	[sflag:s16] =	ssyncadd.s32 $0xFFFFC000;
	s23 =	smov.u32 s24;
	s26 =	sadd.s32 $0x200, s24  }
0x3b: {  	[tilespmem:s15], [sflag:$0x1] =	stream.indirect.gather [hbm4b:s4+s18], $0x80, s25, s18, $0xb8;
	[tilespmem:$0x1CF00] =	vst v63  }
0x3c: {  	p0 =	sne.s32 s24, $0x9C00;
	_ =	swait.ge [sflag:s19], $0x4000  }
.Ltmp0:
0x3d: {  	[sflag:s19] =	ssyncset.done $0x0;
	(pc) =	sbr.rel @p0 .LBB2_2-.Ltmp0, $4  }
0x3e: {  	s24 =	sadd.s32 $0x2780, s25;
	[sflag:s19] =	ssyncadd.s32 $0xFFFFC000  }
0x3f: {  	[spmem:s2] =	stream.indirect.scatter.add.f32 [tilespmem:s15], [sflag:$0x2], $0x80, s24, s18, $0xb8;
	[tilespmem:$0x1CF00] =	vst v63  }
0x40: {  	_ =	swait.ge [sflag:s16], $0x4000  }
0x41: {  	s24 =	smov.u32 s26;
	[sflag:s16] =	ssyncset.done $0x0  }
0x42: {  	s23 =	sshra.s32 s23, $0x2;
	[sflag:s16] =	ssyncadd.s32 $0xFFFFC000  }
0x43: {  	[tilespmem:s15], [sflag:$0x1] =	stream.indirect.gather [hbm4b:s4+s18], $0x80, s23, s18, $0xb8;
	[tilespmem:$0x1CF00] =	vst v63  }
0x44: {  	_ =	swait.ge [sflag:s19], $0x4000  }
0x45: {  	[sflag:s19] =	ssyncset.done $0x0  }
0x46: {  	s23 =	sadd.s32 $0x2780, s23;
	[sflag:s19] =	ssyncadd.s32 $0xFFFFC000  }
0x47: {  	[spmem:s2] =	stream.indirect.scatter.add.f32 [tilespmem:s15], [sflag:$0x2], $0x80, s23, s18, $0xb8;
	[tilespmem:$0x1CF00] =	vst v63  }
0x48: {  	_ =	swait.ge [sflag:s16], $0x4000  }
0x49: {  	s22 =	sadd.s32 $0x1, s22;
	[sflag:s16] =	ssyncset.done $0x0  }
0x4a: {  	p0 =	sne.s32 s22, s10;
	[sflag:s16] =	ssyncadd.s32 $0xFFFFC000  }
.Ltmp1:
0x4b: {  	[bflag:$0x0] =	sbarrier.arrive $0xFFFF;
	(pc) =	sbr.rel @p0 .LBB2_1-.Ltmp1, $4  }
0x4c: {  	[hbm:s9], [sflag:s20] =	dma.local [spmem:s21], $0x2800  }
0x4d: {  	_ =	swait.ge [sflag:s16], $0x2800  }
0x4e: {  	[sflag:s16] =	ssyncset.done $0x0  }
0x4f: {  	[sflag:s16] =	ssyncadd.s32 $0xFFFFD800  }
0x50: {  	_ =	sfence.sel $0x180000  }
0x51: {  	[bflag:$0x0] =	sbarrier.arrive $0xFFFF  }
0x52: {  	p0 =	sne.s32 s0, $0x0;
	_ =	strace $0x9000004D  }
0x53: {  	s0 =	sadd.s32 @!p0 $0x100000, s1;
	[bflag:$0x2] =	sbarrier.arrive $0xFFFF  }
0x54: {  	[sflag:s0] =	ssyncadd.tile.s32 @!p0 $0x1;
	_ =	shalt  }
.Lfunc_end2:
_tile_overlayer_lowered:
.L_overlay_start_2:
0x55: {  	(tag) =	ssettag $0x2  }
0x56: {  	s0 =	rddreg [dreg:$0x0];
	s2 =	stileid.u32  }
0x57: {  	s1 =	rddreg [dreg:$0x1];
	p0 =	sne.s32 s2, $0x0  }
0x58: {  	s3 =	rddreg [dreg:$0x2];
	[bflag:$0x3] =	sbarrier.arrive $0xFFFF;
	s2 =	simm.s32 @!p0 $0x1C02  }
0x59: {  	[timem:s3], [sflag:s2] =	dma.local @!p0 [hbm:s0], s1  }
0x5a: {  	s0 =	simm.s32 @!p0 $0x2  }
0x5b: {  	_ =	swait.ge @!p0 [sflag:s0], s1  }
0x5c: {  	s1 =	ssub.s32 @!p0 $0x0, s1;
	[sflag:s0] =	ssyncset.done @!p0 $0x0  }
0x5d: {  	[sflag:s0] =	ssyncadd.s32 @!p0 s1  }
0x5e: {  	[bflag:$0x3] =	sbarrier.arrive $0xFFFF  }
0x5f: {  	_ =	shalt  }

// kernel: kernel.19.cloned.1.call-start
scs
__scs_entry_jumppad:
0x0: {  	(pc) =	sbr.rel $0x88, $3  }
0x1: {  	(tag) =	ssettag $0x0;
	lr =	simm.s32 $0x1  }
0x2: {  	[smem:$0x3F99] =	sst lr;
	_ =	strace $0xD0000000  }
0x3: {  	_ = 	snop  }
0x4: {  	_ = 	snop  }
0x5: {  	_ = 	snop  }
0x6: {  	_ = 	snop  }
0x7: {  	_ = 	snop  }
__scs_overlays_trampoline_lowered:
0x8: {  	[smem:$0x3FA8] =	sst s0  }
0x9: {  	[smem:$0x3FA9] =	sst s1  }
0xa: {  	[smem:$0x3FAA] =	sst s2  }
0xb: {  	[smem:$0x3FAB] =	sst s3  }
0xc: {  	[smem:$0x3FAC] =	sst s4  }
0xd: {  	[smem:$0x3FAD] =	sst s5  }
0xe: {  	[smem:$0x3FAE] =	sst s6  }
0xf: {  	[smem:$0x3FAF] =	sst s7  }
0x10: {  	[smem:$0x3FB0] =	sst s8  }
0x11: {  	[smem:$0x3FB1] =	sst s9;
	s0 =	simm.s32 @!p0 $0x0  }
0x12: {  	s1 =	sld [smem:$0x3F97];
	s0 =	simm.s32 @p0 $0x1  }
0x13: {  	[smem:$0x3FB2] =	sst s0;
	s0 =	simm.s32 @!p1 $0x0  }
0x14: {  	s2 =	sld [smem:$0x3F96];
	s0 =	simm.s32 @p1 $0x1  }
0x15: {  	[smem:$0x3FB3] =	sst s0;
	s0 =	simm.s32 @!p2 $0x0  }
0x16: {  	s3 =	sld [smem:$0x3FDB];
	s0 =	simm.s32 @p2 $0x1  }
0x17: {  	s4 =	simm.s32 $0x1BF5;
	[smem:$0x3FB5] =	sst s0  }
0x18: {  	s0 =	sld [smem:$0x3F98];
	_ =	swait.ge [sflag:s4], $0x0  }
0x19: {  	s7 =	sld [smem:$0x3F99]  }
0x1a: {  	s8 =	sadd.s32 $0xFFFFE003, lr  }
0x1b: {  	s9 =	sadd.s32 $0xFFFFFEF7, lr;
	s5 =	simm.s32 $0xFFFFFFFF;
	p2 =	slt.u32 s8, $0xFFFFF086  }
0x1c: {  	p1 =	slt.u32 s9, $0xF7A;
	s5 =	simm.s32 @!p2 $0x0  }
0x1d: {  	s5 =	simm.s32 @p1 $0x1;
	p0 =	seq.s32 s7, s2  }
0x1e: {  	s7 =	smul.u32 @!p0 $0xF7A, s2;
	p2 =	seq.s32 @!p0 s5, $0x0  }
0x1f: {  	s9 =	smul.u32 $0xF7A, s1;
	s8 =	simm.s32 @!p0 $0x1BF5;
	p2 =	por !p2, p0  }
0x20: {  	[sflag:s8] =	ssyncset.s32 @!p0 $0xFFFFF086;
	s6 =	sadd.s32 @!p0 s3, s7;
	s7 =	simm.s32 @!p0 $0x108  }
0x21: {  	s3 =	sadd.s32 s3, s9;
	s6 =	sadd.s32 @!p0 $0x88, s6;
	s7 =	simm.s32 @p2 $0x1082  }
0x22: {  	[simem:s7], [sflag:s8] =	dma.local @!p0 [hbm:s6], $0xF7A  }
0x23: {  	s9 =	sor.u32 $0xD0000000, s2;
	s6 =	simm.s32 $0x108;
	_ =	swait.ge @!p0 [sflag:s8], $0x0  }
0x24: {  	s3 =	sadd.s32 $0x88, s3;
	s6 =	simm.s32 @!p1 $0x1082;
	[sflag:s4] =	ssyncset.s32 $0xFFFFF086  }
0x25: {  	[simem:s6], [sflag:s4] =	dma.local [hbm:s3], $0xF7A  }
0x26: {  	[smem:$0x3F99] =	sst s1;
	(tag) =	ssettag s2;
	_ =	strace s9  }
0x27: {  	s1 =	sld [smem:$0x3FA9]  }
0x28: {  	s2 =	sld [smem:$0x3FAA]  }
0x29: {  	s4 =	sld [smem:$0x3FAC]  }
0x2a: {  	p0 =	seq.s32 s5, $0x0;
	s5 =	sld [smem:$0x3FAD]  }
0x2b: {  	s6 =	sld [smem:$0x3FAE]  }
0x2c: {  	s7 =	sld [smem:$0x3FAF]  }
0x2d: {  	s3 =	simm.s32 $0x108;
	s8 =	sld [smem:$0x3FB0]  }
0x2e: {  	s3 =	simm.s32 @!p0 $0x1082;
	s9 =	sld [smem:$0x3FB1]  }
0x2f: {  	lr =	sadd.s32 s0, s3;
	s0 =	sld [smem:$0x3FA8]  }
0x30: {  	s3 =	sld [smem:$0x3FAB]  }
0x31: {  	[smem:$0x3FB4] =	sst s10  }
0x32: {  	s10 =	sld [smem:$0x3FB2];
	_ =	sdelay $0x3  }
0x33: {  	p0 =	seq.s32 s10, $0x1;
	s10 =	sld [smem:$0x3FB4];
	_ =	sdelay $0x3  }
0x34: {  	[smem:$0x3FB4] =	sst s10  }
0x35: {  	s10 =	sld [smem:$0x3FB3];
	_ =	sdelay $0x3  }
0x36: {  	p1 =	seq.s32 s10, $0x1;
	s10 =	sld [smem:$0x3FB4];
	_ =	sdelay $0x3  }
0x37: {  	[smem:$0x3FB4] =	sst s10  }
0x38: {  	s10 =	sld [smem:$0x3FB5]  }
0x39: {  	_ = 	snop;
	(pc) =	sbr.ind lr, $3  }
0x3a: {  	_ = 	snop  }
0x3b: {  	_ = 	snop  }
0x3c: {  	p2 =	seq.s32 s10, $0x1;
	s10 =	sld [smem:$0x3FB4]  }
0x3d: {  	_ =	shalt  }
0x3e: {  	_ =	shalt  }
0x3f: {  	_ =	shalt  }
0x40: {  	_ =	shalt  }
0x41: {  	_ =	shalt  }
0x42: {  	_ =	shalt  }
0x43: {  	_ =	shalt  }
0x44: {  	_ =	shalt  }
0x45: {  	_ =	shalt  }
0x46: {  	_ =	shalt  }
0x47: {  	_ =	shalt  }
0x48: {  	_ =	shalt  }
0x49: {  	_ =	shalt  }
0x4a: {  	_ =	shalt  }
0x4b: {  	_ =	shalt  }
0x4c: {  	_ =	shalt  }
0x4d: {  	_ =	shalt  }
0x4e: {  	_ =	shalt  }
0x4f: {  	_ =	shalt  }
0x50: {  	_ =	shalt  }
0x51: {  	_ =	shalt  }
0x52: {  	_ =	shalt  }
0x53: {  	_ =	shalt  }
0x54: {  	_ =	shalt  }
0x55: {  	_ =	shalt  }
0x56: {  	_ =	shalt  }
0x57: {  	_ =	shalt  }
0x58: {  	_ =	shalt  }
0x59: {  	_ =	shalt  }
0x5a: {  	_ =	shalt  }
0x5b: {  	_ =	shalt  }
0x5c: {  	_ =	shalt  }
0x5d: {  	_ =	shalt  }
0x5e: {  	_ =	shalt  }
0x5f: {  	_ =	shalt  }
0x60: {  	_ =	shalt  }
0x61: {  	_ =	shalt  }
0x62: {  	_ =	shalt  }
0x63: {  	_ =	shalt  }
0x64: {  	_ =	shalt  }
0x65: {  	_ =	shalt  }
0x66: {  	_ =	shalt  }
0x67: {  	_ =	shalt  }
0x68: {  	_ =	shalt  }
0x69: {  	_ =	shalt  }
0x6a: {  	_ =	shalt  }
0x6b: {  	_ =	shalt  }
0x6c: {  	_ =	shalt  }
0x6d: {  	_ =	shalt  }
0x6e: {  	_ =	shalt  }
0x6f: {  	_ =	shalt  }
0x70: {  	_ =	shalt  }
0x71: {  	_ =	shalt  }
0x72: {  	_ =	shalt  }
0x73: {  	_ =	shalt  }
0x74: {  	_ =	shalt  }
0x75: {  	_ =	shalt  }
0x76: {  	_ =	shalt  }
0x77: {  	_ =	shalt  }
0x78: {  	_ =	shalt  }
0x79: {  	_ =	shalt  }
0x7a: {  	_ =	shalt  }
0x7b: {  	_ =	shalt  }
0x7c: {  	_ =	shalt  }
0x7d: {  	_ =	shalt  }
0x7e: {  	_ =	shalt  }
0x7f: {  	_ =	shalt  }
0x80: {  	_ =	shalt  }
0x81: {  	_ =	shalt  }
0x82: {  	_ =	shalt  }
0x83: {  	_ =	shalt  }
0x84: {  	_ =	shalt  }
0x85: {  	_ =	shalt  }
0x86: {  	_ =	shalt  }
0x87: {  	_ =	shalt  }
.Lfunc_end0:
.L_simem_size_0:
called_computation.3_lowered:
.L_overlay_start_0:
0x88: {  	s2 =	sld [smem:$0x3FD9]  }
0x89: {  	s3 =	sld [smem:$0x3FFE];
	_ =	sdelay $0x1  }
0x8a: {  	s1 =	srdreg.scid  }
0x8b: {  	s0 =	sand.u32 $0x1, s1  }
0x8c: {  	s17 =	sshll.u32 s0, $0xA;
	s2 =	sadd.s32 s3, s2  }
0x8d: {  	s2 =	sadd.s32 s2, s17  }
0x8e: {  	[smem:$0x3FC0] =	sst s2  }
0x8f: {  	_ = 	snop  }
0x90: {  	s2 =	sld [smem:$0x3FD0];
	(tm) =	ssettm $0x1  }
0x91: {  	s18 =	sld [smem:$0x3FFB];
	_ =	sdelay $0x3  }
0x92: {  	_ =	strace s18  }
0x93: {  	s3 =	sld [smem:$0x3FFC];
	_ =	sdelay $0x3  }
0x94: {  	_ =	strace s3  }
0x95: {  	s3 =	sld [smem:$0x3FFD];
	_ =	sdelay $0x3  }
0x96: {  	_ =	strace s3  }
0x97: {  	_ =	strace $0x8FFFFFFF  }
0x98: {  	s19 =	sld [smem:$0x3FDB];
	_ =	sdelay $0x1  }
0x99: {  	s4 =	simm.s32 $_scs_section_size  }
0x9a: {  	s5 =	simm.s32 $_size__tile_overlayer_lowered;
	s6 =	simm.s32 $_tile_overlayer_lowered  }
0x9b: {  	s22 =	simm.s32 $0x1BFF;
	s21 =	sshll.u32 s6, $0x1;
	s3 =	sadd.s32 s4, s19  }
0x9c: {  	s7 =	simm.s32 $0x0;
	s20 =	sshll.u32 s5, $0x1;
	s5 =	sadd.s32 s21, s3  }
0x9d: {  	[timem:s7], [sflag:s22] =	dma.local [hbm:s5], s20  }
0x9e: {  	_ =	swait.ge [sflag:s22], s20  }
0x9f: {  	s4 =	ssub.s32 $0x0, s20;
	[sflag:s22] =	ssyncset.done $0x0  }
0xa0: {  	[sflag:s22] =	ssyncadd.s32 s4;
	_ =	sdelay $0x1  }
0xa1: {  	s23 =	simm.s32 $0x1B8B  }
0xa2: {  	_ =	swait.ge [sflag:s23], $0x1  }
0xa3: {  	[sflag:s23] =	ssyncset.done $0x0  }
0xa4: {  	s25 =	simm.s32 $0x1B8E;
	s24 =	sld [smem:$0x3FFE];
	[sflag:s23] =	ssyncadd.s32 $0xFFFFFFFF  }
0xa5: {  	s26 =	simm.s32 $execute0_lowered;
	[smem:$0x3FD2] =	sst s25  }
0xa6: {  	s5 =	sshll.u32 s26, $0x1;
	_ =	strace $0x8000004F;
	[dreg:$0x1] =	wrdreg $0xFFFFFFFF  }
0xa7: {  	s28 =	simm.s32 $_size_execute0_lowered;
	s3 =	sadd.s32 s3, s5;
	[dreg:$0x0] =	wrdreg $0x0  }
0xa8: {  	s5 =	sshll.u32 s28, $0x1;
	[dreg:$0x2] =	wrdreg s3  }
0xa9: {  	[dreg:$0x3] =	wrdreg s5  }
0xaa: {  	[dreg:$0x4] =	wrdreg $0xC0  }
0xab: {  	_ =	task [dreg:s7], $0x5FFFF  }
0xac: {  	[dreg:$0x1] =	wrdreg $0xFFFFFFFF  }
0xad: {  	[dreg:$0x0] =	wrdreg $0x60  }
0xae: {  	[dreg:$0x2] =	wrdreg s24  }
0xaf: {  	[dreg:$0x3] =	wrdreg s2  }
0xb0: {  	[dreg:$0x4] =	wrdreg $0x6F000  }
0xb1: {  	[dreg:$0x5] =	wrdreg $0x9  }
0xb2: {  	_ =	task.clear_ibuf [dreg:s7], $0x6FFFF;
	_ =	strace $0x9000004F  }
0xb3: {  	s29 =	simm.s32 $0x9;
	_ =	strace $0x80000051  }
0xb4: {  	_ =	swait.ge [sflag:s29], $0x1  }
0xb5: {  	[sflag:s29] =	ssyncadd.s32 $0xFFFFFFFF  }
0xb6: {  	_ =	strace $0x90000051  }
0xb7: {  	_ =	sfence  }
0xb8: {  	s30 =	sld [smem:$0x0];
	_ =	sdelay $0x2  }
0xb9: {  	s31 =	sshll.u32 s1, $0xD;
	s1 =	sshrl.u32 s1, $0x2  }
0xba: {  	s3 =	sand.u32 $0x4000, s31;
	s1 =	sadd.s32 s1, s30  }
0xbb: {  	s0 =	sor.u32 s3, s0;
	s1 =	sshll.u32 s1, $0x11  }
0xbc: {  	s0 =	sor.u32 s1, s0  }
0xbd: {  	s0 =	sadd.s32 $0x8F2B, s0  }
0xbe: {  	[sflag:s0] =	ssyncadd.remote.s32 $0x1  }
0xbf: {  	_ =	sfence.sel $0xFFFF  }
0xc0: {  	[dreg:$0x0] =	wrdreg $0xFFFFFFFF;
	(pc) =	sbr.abs _section_cstart, $3  }
0xc1: {  	[dreg:$0x1] =	wrdreg $0xFFFFFFFF  }
0xc2: {  	_ =	task.clear_ibuf [dreg:s7], $0x2FFFF;
	_ =	strace $0x9FFFFFFF  }
0xc3: {  	(tm) =	ssettm $0x7FFFFFFF  }
tec
execute0_lowered:
.L_overlay_start_1:
0x0: {  	(tag) =	ssettag $0x1  }
0x1: {  	s6 =	rddreg [dreg:$0x0]  }
0x2: {  	s0 =	srdreg.scid;
	s8 =	rddreg [dreg:$0x1]  }
0x3: {  	s2 =	rddreg [dreg:$0x2];
	s3 =	simm.s32 $0x0;
	s15 =	simm.s32 $0x4F00  }
0x4: {  	s16 =	simm.s32 $0x2;
	s17 =	simm.s32 $0x2780;
	s18 =	simm.s32 $0x80  }
0x5: {  	s19 =	simm.s32 $0x1;
	s7 =	sand.u32 $0x1, s0;
	s0 =	stileid.u32  }
0x6: {  	s22 =	simm.s32 $0x0;
	[smem:$0x7FF] =	sst s3;
	s10 =	smul.u32 $0xA0000, s7  }
0x7: {  	s5 =	sadd.s32 $0x3000, s6;
	s1 =	sshll.u32 s7, $0x4;
	s11 =	smul.u32 $0xA000, s0  }
0x8: {  	s13 =	smul.u32 $0x28000, s0;
	s7 =	ssub.s32 $0x2, s7;
	s20 =	sshll.u32 s0, $0x6  }
0x9: {  	s4 =	sor.u32 s0, s1;
	s1 =	rddreg [dreg:$0x3];
	_ =	strace $0x80000050  }
0xa: {  	s14 =	sshrl.u32 s7, $0x1;
	s20 =	sor.u32 $0x1C02, s20;
	s9 =	smul.u32 $0x4F0, s4  }
0xb: {  	s4 =	sadd.s32 $0x12200, s6;
	s10 =	sadd.s32 s11, s10;
	s13 =	sshrl.u32 s13, $0x2  }
0xc: {  	s14 =	ssub.s32 s7, s14;
	s21 =	sadd.s32 s11, s2;
	s10 =	sshrl.u32 s10, $0x3  }
0xd: {  	s21 =	sshrl.u32 s21, $0x3;
	s12 =	sadd.s32 s9, s6;
	s10 =	sadd.s32 s10, s6  }
0xe: {  	s6 =	sadd.s32 s13, s2;
	s8 =	sadd.s32 s8, s9;
	s7 =	sadd.s32 $0x8400, s12  }
0xf: {  	s9 =	sadd.s32 $0x26200, s10;
	s10 =	smax.u32 s14, $0x1;
	s11 =	sadd.s32 $0x2000, s6  }
0x10: {  	s12 =	sadd.s32 $0x4000, s6;
	s13 =	sadd.s32 $0x6000, s6;
	s14 =	sadd.s32 $0x8000, s6  }
.LBB2_1:
0x11: {  	[tilespmem:s15], [sflag:$0x2] =	stream.linear.gather [hbm4b:s5+s3], $0x2000, $0x38;
	[tilespmem:$0x10F00] =	vst v63  }
0x12: {  	_ =	swait.ge [sflag:s16], $0x2000  }
0x13: {  	[sflag:s16] =	ssyncset.done $0x0  }
0x14: {  	[sflag:s16] =	ssyncadd.s32 $0xFFFFE000  }
0x15: {  	[spmem:s6] =	stream.linear.scatter [tilespmem:s15], [sflag:$0x2], $0x2000, $0x38;
	[tilespmem:$0x10F00] =	vst v63  }
0x16: {  	_ =	swait.ge [sflag:s16], $0x2000  }
0x17: {  	[sflag:s16] =	ssyncset.done $0x0  }
0x18: {  	[sflag:s16] =	ssyncadd.s32 $0xFFFFE000  }
0x19: {  	[spmem:s11] =	stream.linear.scatter [tilespmem:s15], [sflag:$0x2], $0x2000, $0x38;
	[tilespmem:$0x10F00] =	vst v63  }
0x1a: {  	_ =	swait.ge [sflag:s16], $0x2000  }
0x1b: {  	[sflag:s16] =	ssyncset.done $0x0  }
0x1c: {  	[sflag:s16] =	ssyncadd.s32 $0xFFFFE000  }
0x1d: {  	[spmem:s12] =	stream.linear.scatter [tilespmem:s15], [sflag:$0x2], $0x2000, $0x38;
	[tilespmem:$0x10F00] =	vst v63  }
0x1e: {  	_ =	swait.ge [sflag:s16], $0x2000  }
0x1f: {  	[sflag:s16] =	ssyncset.done $0x0  }
0x20: {  	[sflag:s16] =	ssyncadd.s32 $0xFFFFE000  }
0x21: {  	[spmem:s13] =	stream.linear.scatter [tilespmem:s15], [sflag:$0x2], $0x2000, $0x38;
	[tilespmem:$0x10F00] =	vst v63  }
0x22: {  	_ =	swait.ge [sflag:s16], $0x2000  }
0x23: {  	[sflag:s16] =	ssyncset.done $0x0  }
0x24: {  	[sflag:s16] =	ssyncadd.s32 $0xFFFFE000  }
0x25: {  	[spmem:s14] =	stream.linear.scatter [tilespmem:s15], [sflag:$0x2], $0x2000, $0x38;
	[tilespmem:$0x10F00] =	vst v63  }
0x26: {  	_ =	swait.ge [sflag:s16], $0x2000  }
0x27: {  	[sflag:s16] =	ssyncset.done $0x0  }
0x28: {  	[sflag:s16] =	ssyncadd.s32 $0xFFFFE000  }
0x29: {  	[tilespmem:s3], [sflag:$0x2] =	stream.linear.gather [hbm4b:s7+s3], $0x2780, $0x38;
	[tilespmem:$0x10F00] =	vst v63  }
0x2a: {  	_ =	swait.ge [sflag:s16], $0x2780  }
0x2b: {  	[sflag:s16] =	ssyncset.done $0x0  }
0x2c: {  	[sflag:s16] =	ssyncadd.s32 $0xFFFFD880  }
0x2d: {  	[tilespmem:s17], [sflag:$0x2] =	stream.linear.gather [hbm4b:s8+s3], $0x2780, $0x38;
	[tilespmem:$0x10F00] =	vst v63  }
0x2e: {  	_ =	swait.ge [sflag:s16], $0x2780  }
0x2f: {  	[sflag:s16] =	ssyncset.done $0x0  }
0x30: {  	[sflag:s16] =	ssyncadd.s32 $0xFFFFD880  }
0x31: {  	s23 =	simm.s32 $0x0;
	[bflag:$0x0] =	sbarrier.arrive $0xFFFF  }
0x32: {  	[tilespmem:s15], [sflag:$0x1] =	stream.indirect.gather [hbm4b:s4+s18], $0x40, s23, s18, $0xb8;
	[tilespmem:$0x10F00] =	vst v63  }
0x33: {  	_ =	swait.ge [sflag:s19], $0x2000  }
0x34: {  	[sflag:s19] =	ssyncset.done $0x0  }
0x35: {  	s31 =	simm.s32 $0x2780;
	[sflag:s19] =	ssyncadd.s32 $0xFFFFE000  }
0x36: {  	[spmem:s2] =	stream.indirect.scatter.add.f32 [tilespmem:s15], [sflag:$0x2], $0x40, s31, s18, $0xb8;
	[tilespmem:$0x10F00] =	vst v63  }
0x37: {  	_ =	swait.ge [sflag:s16], $0x2000  }
0x38: {  	s24 =	simm.s32 $0x400;
	s23 =	simm.s32 $0x200;
	[sflag:s16] =	ssyncset.done $0x0  }
.LBB2_2:
0x39: {  	s25 =	sshra.s32 s23, $0x2  }
0x3a: {  	[sflag:s16] =	ssyncadd.s32 $0xFFFFE000;
	s23 =	smov.u32 s24;
	s26 =	sadd.s32 $0x200, s24  }
0x3b: {  	[tilespmem:s15], [sflag:$0x1] =	stream.indirect.gather [hbm4b:s4+s18], $0x40, s25, s18, $0xb8;
	[tilespmem:$0x10F00] =	vst v63  }
0x3c: {  	p0 =	sne.s32 s24, $0x9C00;
	_ =	swait.ge [sflag:s19], $0x2000  }
.Ltmp0:
0x3d: {  	[sflag:s19] =	ssyncset.done $0x0;
	(pc) =	sbr.rel @p0 .LBB2_2-.Ltmp0, $4  }
0x3e: {  	s24 =	sadd.s32 $0x2780, s25;
	[sflag:s19] =	ssyncadd.s32 $0xFFFFE000  }
0x3f: {  	[spmem:s2] =	stream.indirect.scatter.add.f32 [tilespmem:s15], [sflag:$0x2], $0x40, s24, s18, $0xb8;
	[tilespmem:$0x10F00] =	vst v63  }
0x40: {  	_ =	swait.ge [sflag:s16], $0x2000  }
0x41: {  	s24 =	smov.u32 s26;
	[sflag:s16] =	ssyncset.done $0x0  }
0x42: {  	s23 =	sshra.s32 s23, $0x2;
	[sflag:s16] =	ssyncadd.s32 $0xFFFFE000  }
0x43: {  	[tilespmem:s15], [sflag:$0x1] =	stream.indirect.gather [hbm4b:s4+s18], $0x40, s23, s18, $0xb8;
	[tilespmem:$0x10F00] =	vst v63  }
0x44: {  	_ =	swait.ge [sflag:s19], $0x2000  }
0x45: {  	[sflag:s19] =	ssyncset.done $0x0  }
0x46: {  	s23 =	sadd.s32 $0x2780, s23;
	[sflag:s19] =	ssyncadd.s32 $0xFFFFE000  }
0x47: {  	[spmem:s2] =	stream.indirect.scatter.add.f32 [tilespmem:s15], [sflag:$0x2], $0x40, s23, s18, $0xb8;
	[tilespmem:$0x10F00] =	vst v63  }
0x48: {  	_ =	swait.ge [sflag:s16], $0x2000  }
0x49: {  	s22 =	sadd.s32 $0x1, s22;
	[sflag:s16] =	ssyncset.done $0x0  }
0x4a: {  	p0 =	sne.s32 s22, s10;
	[sflag:s16] =	ssyncadd.s32 $0xFFFFE000  }
.Ltmp1:
0x4b: {  	[bflag:$0x0] =	sbarrier.arrive $0xFFFF;
	(pc) =	sbr.rel @p0 .LBB2_1-.Ltmp1, $4  }
0x4c: {  	[hbm:s9], [sflag:s20] =	dma.local [spmem:s21], $0x1400  }
0x4d: {  	_ =	swait.ge [sflag:s16], $0x1400  }
0x4e: {  	[sflag:s16] =	ssyncset.done $0x0  }
0x4f: {  	[sflag:s16] =	ssyncadd.s32 $0xFFFFEC00  }
0x50: {  	_ =	sfence.sel $0x180000  }
0x51: {  	[bflag:$0x0] =	sbarrier.arrive $0xFFFF  }
0x52: {  	p0 =	sne.s32 s0, $0x0;
	_ =	strace $0x90000050  }
0x53: {  	s0 =	sadd.s32 @!p0 $0x100000, s1;
	[bflag:$0x2] =	sbarrier.arrive $0xFFFF  }
0x54: {  	[sflag:s0] =	ssyncadd.tile.s32 @!p0 $0x1;
	_ =	shalt  }
.Lfunc_end2:
_tile_overlayer_lowered:
.L_overlay_start_2:
0x55: {  	(tag) =	ssettag $0x2  }
0x56: {  	s0 =	rddreg [dreg:$0x0];
	s2 =	stileid.u32  }
0x57: {  	s1 =	rddreg [dreg:$0x1];
	p0 =	sne.s32 s2, $0x0  }
0x58: {  	s3 =	rddreg [dreg:$0x2];
	[bflag:$0x3] =	sbarrier.arrive $0xFFFF;
	s2 =	simm.s32 @!p0 $0x1C02  }
0x59: {  	[timem:s3], [sflag:s2] =	dma.local @!p0 [hbm:s0], s1  }
0x5a: {  	s0 =	simm.s32 @!p0 $0x2  }
0x5b: {  	_ =	swait.ge @!p0 [sflag:s0], s1  }
0x5c: {  	s1 =	ssub.s32 @!p0 $0x0, s1;
	[sflag:s0] =	ssyncset.done @!p0 $0x0  }
0x5d: {  	[sflag:s0] =	ssyncadd.s32 @!p0 s1  }
0x5e: {  	[bflag:$0x3] =	sbarrier.arrive $0xFFFF  }
0x5f: {  	_ =	shalt  }

</sc_bundles>
